<compile_context>
chip_gen: v7x
topology: tpu7x:2x2x1
jax: 0.10.2.dev20260603
libtpu: 0.0.44.dev20260713+nightly
codegen_flags: <defaults>
</compile_context>

<pallas_src>
import functools

import jax
import jax.numpy as jnp
from jax import lax
from jax.experimental import pallas as pl
from jax.experimental.pallas import tpu as pltpu
from jax.experimental.pallas import tpu_sc as plsc

N_NODES = 163842
N_IN = 40962
FEAT = 256
HALF = FEAT // 2
M2 = 2 * (N_NODES - N_IN)

NC, NS = 2, 16
NW = NC * NS

GATHER_BASE = 40968
SHIFT = 2 * (GATHER_BASE - N_IN)
CHUNK = 128
N_CHUNKS = 30
LAST_J = NW * N_CHUNKS - 1
TAIL_ROWS = 120

DEPTH = 2
XCOPY_PER_W = 40960 // NW
XCHUNK = 64
N_XCHUNKS = XCOPY_PER_W // XCHUNK
IDX_WIN = M2 // NW + 128


def _pairmean_body(x_ref, p_ref, a_ref):
    a_ref[...] = jax.lax.dot(x_ref[...], p_ref[...])


def _pair_matrix():
    import numpy as np

    p = np.zeros((FEAT, HALF), dtype=np.float32)
    j = np.arange(HALF)
    p[2 * j, j] = 0.5
    p[2 * j + 1, j] = 0.5
    return jnp.asarray(p)


def _pairmean(x):
    blk = 4096
    grid = (N_IN + blk - 1) // blk
    return pl.pallas_call(
        _pairmean_body,
        grid=(grid,),
        in_specs=[
            pl.BlockSpec((blk, FEAT), lambda i: (i, 0)),
            pl.BlockSpec((FEAT, HALF), lambda i: (0, 0)),
        ],
        out_specs=pl.BlockSpec((blk, HALF), lambda i: (i, 0)),
        out_shape=jax.ShapeDtypeStruct((N_IN, HALF), jnp.float32),
    )(x, _pair_matrix())


def _sc_body(x_hbm, a_hbm, idx_hbm, out_hbm, idx1_v, ev_v, od_v, rv, xbuf_v, gsem, xsem):
    c = lax.axis_index("c")
    s = lax.axis_index("s")
    w = s * NC + c

    xbase = w * XCOPY_PER_W

    pltpu.sync_copy(idx_hbm.at[pl.ds(w * (M2 // NW), IDX_WIN)], idx1_v)

    lanes = lax.iota(jnp.int32, 16)

    def build(ci):
        r = lax.rem(ci, DEPTH)
        base = SHIFT + ci * (2 * CHUNK)
        for k in range(CHUNK // 16):
            pos = base + 32 * k + 2 * lanes
            ev_v[r, pl.ds(16 * k, 16)] = plsc.load_gather(idx1_v, [pos])
            od_v[r, pl.ds(16 * k, 16)] = plsc.load_gather(idx1_v, [pos + 1])

    def start_gather(ci):
        r = lax.rem(ci, DEPTH)
        pltpu.async_copy(
            a_hbm.at[ev_v.at[r]], rv.at[r].at[:, pl.ds(0, HALF)], gsem.at[r]
        )
        pltpu.async_copy(
            a_hbm.at[od_v.at[r]], rv.at[r].at[:, pl.ds(HALF, HALF)], gsem.at[r]
        )

    def start_xread(ci):
        pltpu.async_copy(
            x_hbm.at[pl.ds(xbase + ci * XCHUNK, XCHUNK)],
            xbuf_v.at[lax.rem(ci, 2)],
            xsem.at[lax.rem(ci, 2)],
        )

    for p in range(DEPTH - 1):
        build(p)
        start_gather(p)
    start_xread(0)

    def chunk(ci, carry):
        @pl.when(ci + DEPTH - 1 < N_CHUNKS)
        def _():
            build(ci + DEPTH - 1)
            start_gather(ci + DEPTH - 1)

        @pl.when(ci + 1 < N_XCHUNKS)
        def _():
            start_xread(ci + 1)

        @pl.when(ci < N_XCHUNKS)
        def _():
            r2 = lax.rem(ci, 2)
            pltpu.make_async_copy(
                x_hbm.at[pl.ds(xbase + ci * XCHUNK, XCHUNK)],
                xbuf_v.at[r2],
                xsem.at[r2],
            ).wait()
            pltpu.sync_copy(
                xbuf_v.at[r2], out_hbm.at[pl.ds(xbase + ci * XCHUNK, XCHUNK)]
            )

        r = lax.rem(ci, DEPTH)
        pltpu.make_async_copy(x_hbm.at[pl.ds(0, CHUNK)], rv.at[r], gsem.at[r]).wait()
        jj = w * N_CHUNKS + ci
        orow = GATHER_BASE + jj * CHUNK

        @pl.when(jj != LAST_J)
        def _():
            pltpu.sync_copy(rv.at[r], out_hbm.at[pl.ds(orow, CHUNK)])

        @pl.when(jj == LAST_J)
        def _():
            pltpu.sync_copy(
                rv.at[r].at[pl.ds(0, TAIL_ROWS)],
                out_hbm.at[pl.ds(orow, TAIL_ROWS)],
            )

        return carry

    lax.fori_loop(0, N_CHUNKS, chunk, 0)


_sc_upsample = functools.partial(
    pl.kernel,
    out_type=jax.ShapeDtypeStruct((N_NODES, FEAT), jnp.float32),
    mesh=plsc.VectorSubcoreMesh(core_axis_name="c", subcore_axis_name="s"),
    compiler_params=pltpu.CompilerParams(needs_layout_passes=False),
    scratch_types=[
        pltpu.VMEM((IDX_WIN,), jnp.int32),
        pltpu.VMEM((DEPTH, CHUNK), jnp.int32),
        pltpu.VMEM((DEPTH, CHUNK), jnp.int32),
        pltpu.VMEM((DEPTH, CHUNK, FEAT), jnp.float32),
        pltpu.VMEM((2, XCHUNK, FEAT), jnp.float32),
        pltpu.SemaphoreType.DMA((DEPTH,)),
        pltpu.SemaphoreType.DMA((2,)),
    ],
)(_sc_body)


def _bfix_body(x_ref, a_ref, ih_ref, oin_ref, o_ref):
    del oin_ref
    p = pl.program_id(0)
    xb = x_ref[...]
    rows = [a_ref[pl.ds(ih_ref[k], 1), :] for k in range(16)]
    g = jnp.concatenate(rows, axis=0)
    ga = g[0:12].reshape(6, FEAT)
    gb = g[12:16].reshape(2, FEAT)
    blk0 = jnp.concatenate([xb[0:2, :], ga], axis=0)
    blk1 = jnp.concatenate([gb, jnp.zeros((6, FEAT), jnp.float32)], axis=0)
    o_ref[...] = jnp.where(p == 0, blk0, blk1)


_XBLK = 40960 // 8
_LASTBLK = 163840 // 8


def _obix(i):
    return (jax.lax.select(i == 0, _XBLK, _LASTBLK), 0)


def _boundary_fix(x, a, idx_tail, out_in):
    return pl.pallas_call(
        _bfix_body,
        grid=(2,),
        in_specs=[
            pl.BlockSpec((8, FEAT), lambda i: (_XBLK, 0)),
            pl.BlockSpec((N_IN, HALF), lambda i: (0, 0)),
            pl.BlockSpec(memory_space=pltpu.SMEM),
            pl.BlockSpec((8, FEAT), _obix),
        ],
        out_specs=pl.BlockSpec((8, FEAT), _obix),
        out_shape=jax.ShapeDtypeStruct((N_NODES, FEAT), jnp.float32),
        input_output_aliases={3: 0},
    )(x, a, idx_tail, out_in)


@jax.jit
def kernel(x, upsample_neighs_order):
    a = _pairmean(x)
    idxpad = jnp.pad(upsample_neighs_order, (0, 128))
    out = _sc_upsample(x, a, idxpad)
    idx_tail = jnp.concatenate(
        [upsample_neighs_order[:SHIFT], upsample_neighs_order[M2 - 4 :]]
    )
    return _boundary_fix(x, a, idx_tail, out)

# --- scband reference (transcript-rebuilt; emitter-appended) ---
"""Pipeline reference for scband-upsample-interpolation-36807869726732 (READ-ONLY COPY).

The authoritative reference and input builder live on the scoring server;
editing this copy changes nothing except your own understanding.
"""

import jax, jax.numpy as jnp
import numpy as np

NUM_NODES = 163842
N_IN = 40962
FEAT = 256
M = NUM_NODES - N_IN


def setup_inputs(seed: int = 0) -> dict:
    key = jax.random.key(seed)
    k1, k2 = jax.random.split(key)
    x = jax.random.normal(k1, (N_IN, FEAT), dtype=jnp.float32)
    upsample_neighs_order = jax.random.randint(k2, (2 * M,), 0, N_IN, dtype=jnp.int32)
    return {"x": x, "upsample_neighs_order": upsample_neighs_order}


def reference(x, upsample_neighs_order):
    # Faithful translation of upsample_interpolation.forward
    feat_num = x.shape[1]
    n_new = NUM_NODES - x.shape[0]
    # gather parent rows, then reshape exactly like torch .view (row-major)
    x1 = jnp.take(x, upsample_neighs_order, axis=0)
    x1 = x1.reshape(n_new, feat_num, 2)
    x1 = jnp.mean(x1, axis=2)
    out = jnp.concatenate((x, x1), axis=0)
    return out

if __name__ == "__main__":
    import jax
    _d = setup_inputs()
    print(jax.jit(kernel)(*tuple(_d.values())))

</pallas_src>

<mosaic_0001>
#map = affine_map<(d0, d1) -> (0, 0)>
#map1 = affine_map<(d0, d1) -> (0)>
module attributes {stable_mosaic.version = 14 : i64} {
  func.func @_sc_body(%arg0: i32, %arg1: i32, %arg2: memref<40962x256xf32, #tpu.memory_space<hbm>>, %arg3: memref<40962x128xf32, #tpu.memory_space<hbm>>, %arg4: memref<245888xi32, #tpu.memory_space<hbm>>, %arg5: memref<163842x256xf32, #tpu.memory_space<hbm>>, %arg6: memref<7808xi32, #tpu.memory_space<vmem>>, %arg7: memref<2x128xi32, #tpu.memory_space<vmem>>, %arg8: memref<2x128xi32, #tpu.memory_space<vmem>>, %arg9: memref<2x128x256xf32, #tpu.memory_space<vmem>>, %arg10: memref<2x64x256xf32, #tpu.memory_space<vmem>>, %arg11: memref<2x!tpu.dma_semaphore, #tpu.memory_space<semaphore_mem>>, %arg12: memref<2x!tpu.dma_semaphore, #tpu.memory_space<semaphore_mem>>) attributes {dimension_semantics = [#tpu.dimension_semantics<core_parallel>, #tpu.dimension_semantics<subcore_parallel>], iteration_bounds = array<i64: 2, 16>, scalar_prefetch = 0 : i64, scratch_operands = 7 : i64, tpu.core_type = #tpu.core_type<sc_vector_subcore>, window_params = [{transform_indices = #map}, {transform_indices = #map}, {transform_indices = #map1}, {transform_indices = #map}]} {
    %mul3A = arith.constant 2 : i32
    %mul3A_0 = arith.muli %arg1, %mul3A : i32
    %add3A = arith.addi %mul3A_0, %arg0 : i32
    %mul3A_1 = arith.constant 1280 : i32
    %mul3A_2 = arith.muli %add3A, %mul3A_1 : i32
    %mul3A_3 = arith.constant 7680 : i32
    %mul3A_4 = arith.muli %add3A, %mul3A_3 : i32
    "tpu.region"() ({
      %run_scoped3A = tpu.sem_alloc : memref<!tpu.dma_semaphore, #tpu.memory_space<semaphore_mem>>
      %dma_start3A_200 = tpu.memref_slice %arg4[%mul3A_4] : memref<245888xi32, #tpu.memory_space<hbm>> -> memref<7808xi32, #tpu.memory_space<hbm>>
      %dma_start3A_201 = tpu.memref_slice %arg4[%mul3A_4] : memref<245888xi32, #tpu.memory_space<hbm>> -> memref<7808xi32, #tpu.memory_space<hbm>>
      tpu.enqueue_dma source(%dma_start3A_201 : memref<7808xi32, #tpu.memory_space<hbm>>) target(%arg6 : memref<7808xi32, #tpu.memory_space<vmem>>) target_semaphore(%run_scoped3A : memref<!tpu.dma_semaphore, #tpu.memory_space<semaphore_mem>>)
      %dma_wait3A = tpu.memref_slice %arg4[%mul3A_4] : memref<245888xi32, #tpu.memory_space<hbm>> -> memref<7808xi32, #tpu.memory_space<hbm>>
      %dma_wait3A_202 = tpu.memref_slice %arg4[%mul3A_4] : memref<245888xi32, #tpu.memory_space<hbm>> -> memref<7808xi32, #tpu.memory_space<hbm>>
      tpu.wait_dma2 semaphore(%run_scoped3A : memref<!tpu.dma_semaphore, #tpu.memory_space<semaphore_mem>>) src(%dma_wait3A_202 : memref<7808xi32, #tpu.memory_space<hbm>>) dst(%arg6 : memref<7808xi32, #tpu.memory_space<vmem>>)
      tpu.yield
    }) : () -> ()
    %iota3A = tpu.iota {dimensions = array<i32: 0>} : vector<16xi32>
    %rem3A = arith.constant 0 : i32
    %rem3A_5 = arith.constant 2 : i32
    %rem3A_6 = arith.remsi %rem3A, %rem3A_5 : i32
    %mul3A_7 = arith.constant 2 : i32
    %mul3A_8 = vector.broadcast %mul3A_7 : i32 to vector<16xi32>
    %mul3A_9 = arith.muli %mul3A_8, %iota3A : vector<16xi32>
    %add3A_10 = arith.constant 12 : i32
    %add3A_11 = vector.broadcast %add3A_10 : i32 to vector<16xi32>
    %add3A_12 = arith.addi %add3A_11, %mul3A_9 : vector<16xi32>
    %gather3A = tpu.vector_load_idx %arg6[%add3A_12] : memref<7808xi32, #tpu.memory_space<vmem>>[vector<16xi32>], vector<16xi32>,
    %swap3A = arith.index_cast %rem3A_6 : i32 to index
    %swap3A_13 = arith.constant 0 : index
    %swap3A_14 = tpu.vector_load %arg7[%swap3A, %swap3A_13] {strides = array<i32>} : memref<2x128xi32, #tpu.memory_space<vmem>>, vector<16xi32>,
    tpu.vector_store %arg7[%swap3A, %swap3A_13], %gather3A {strides = array<i32>} : memref<2x128xi32, #tpu.memory_space<vmem>>, vector<16xi32>,
    %add3A_15 = arith.constant 1 : i32
    %add3A_16 = vector.broadcast %add3A_15 : i32 to vector<16xi32>
    %add3A_17 = arith.addi %add3A_12, %add3A_16 : vector<16xi32>
    %gather3A_18 = tpu.vector_load_idx %arg6[%add3A_17] : memref<7808xi32, #tpu.memory_space<vmem>>[vector<16xi32>], vector<16xi32>,
    %swap3A_19 = arith.index_cast %rem3A_6 : i32 to index
    %swap3A_20 = arith.constant 0 : index
    %swap3A_21 = tpu.vector_load %arg8[%swap3A_19, %swap3A_20] {strides = array<i32>} : memref<2x128xi32, #tpu.memory_space<vmem>>, vector<16xi32>,
    tpu.vector_store %arg8[%swap3A_19, %swap3A_20], %gather3A_18 {strides = array<i32>} : memref<2x128xi32, #tpu.memory_space<vmem>>, vector<16xi32>,
    %mul3A_22 = arith.constant 2 : i32
    %mul3A_23 = vector.broadcast %mul3A_22 : i32 to vector<16xi32>
    %mul3A_24 = arith.muli %mul3A_23, %iota3A : vector<16xi32>
    %add3A_25 = arith.constant 44 : i32
    %add3A_26 = vector.broadcast %add3A_25 : i32 to vector<16xi32>
    %add3A_27 = arith.addi %add3A_26, %mul3A_24 : vector<16xi32>
    %gather3A_28 = tpu.vector_load_idx %arg6[%add3A_27] : memref<7808xi32, #tpu.memory_space<vmem>>[vector<16xi32>], vector<16xi32>,
    %swap3A_29 = arith.index_cast %rem3A_6 : i32 to index
    %swap3A_30 = arith.constant 16 : index
    %swap3A_31 = tpu.vector_load %arg7[%swap3A_29, %swap3A_30] {strides = array<i32>} : memref<2x128xi32, #tpu.memory_space<vmem>>, vector<16xi32>,
    tpu.vector_store %arg7[%swap3A_29, %swap3A_30], %gather3A_28 {strides = array<i32>} : memref<2x128xi32, #tpu.memory_space<vmem>>, vector<16xi32>,
    %add3A_32 = arith.constant 1 : i32
    %add3A_33 = vector.broadcast %add3A_32 : i32 to vector<16xi32>
    %add3A_34 = arith.addi %add3A_27, %add3A_33 : vector<16xi32>
    %gather3A_35 = tpu.vector_load_idx %arg6[%add3A_34] : memref<7808xi32, #tpu.memory_space<vmem>>[vector<16xi32>], vector<16xi32>,
    %swap3A_36 = arith.index_cast %rem3A_6 : i32 to index
    %swap3A_37 = arith.constant 16 : index
    %swap3A_38 = tpu.vector_load %arg8[%swap3A_36, %swap3A_37] {strides = array<i32>} : memref<2x128xi32, #tpu.memory_space<vmem>>, vector<16xi32>,
    tpu.vector_store %arg8[%swap3A_36, %swap3A_37], %gather3A_35 {strides = array<i32>} : memref<2x128xi32, #tpu.memory_space<vmem>>, vector<16xi32>,
    %mul3A_39 = arith.constant 2 : i32
    %mul3A_40 = vector.broadcast %mul3A_39 : i32 to vector<16xi32>
    %mul3A_41 = arith.muli %mul3A_40, %iota3A : vector<16xi32>
    %add3A_42 = arith.constant 76 : i32
    %add3A_43 = vector.broadcast %add3A_42 : i32 to vector<16xi32>
    %add3A_44 = arith.addi %add3A_43, %mul3A_41 : vector<16xi32>
    %gather3A_45 = tpu.vector_load_idx %arg6[%add3A_44] : memref<7808xi32, #tpu.memory_space<vmem>>[vector<16xi32>], vector<16xi32>,
    %swap3A_46 = arith.index_cast %rem3A_6 : i32 to index
    %swap3A_47 = arith.constant 32 : index
    %swap3A_48 = tpu.vector_load %arg7[%swap3A_46, %swap3A_47] {strides = array<i32>} : memref<2x128xi32, #tpu.memory_space<vmem>>, vector<16xi32>,
    tpu.vector_store %arg7[%swap3A_46, %swap3A_47], %gather3A_45 {strides = array<i32>} : memref<2x128xi32, #tpu.memory_space<vmem>>, vector<16xi32>,
    %add3A_49 = arith.constant 1 : i32
    %add3A_50 = vector.broadcast %add3A_49 : i32 to vector<16xi32>
    %add3A_51 = arith.addi %add3A_44, %add3A_50 : vector<16xi32>
    %gather3A_52 = tpu.vector_load_idx %arg6[%add3A_51] : memref<7808xi32, #tpu.memory_space<vmem>>[vector<16xi32>], vector<16xi32>,
    %swap3A_53 = arith.index_cast %rem3A_6 : i32 to index
    %swap3A_54 = arith.constant 32 : index
    %swap3A_55 = tpu.vector_load %arg8[%swap3A_53, %swap3A_54] {strides = array<i32>} : memref<2x128xi32, #tpu.memory_space<vmem>>, vector<16xi32>,
    tpu.vector_store %arg8[%swap3A_53, %swap3A_54], %gather3A_52 {strides = array<i32>} : memref<2x128xi32, #tpu.memory_space<vmem>>, vector<16xi32>,
    %mul3A_56 = arith.constant 2 : i32
    %mul3A_57 = vector.broadcast %mul3A_56 : i32 to vector<16xi32>
    %mul3A_58 = arith.muli %mul3A_57, %iota3A : vector<16xi32>
    %add3A_59 = arith.constant 108 : i32
    %add3A_60 = vector.broadcast %add3A_59 : i32 to vector<16xi32>
    %add3A_61 = arith.addi %add3A_60, %mul3A_58 : vector<16xi32>
    %gather3A_62 = tpu.vector_load_idx %arg6[%add3A_61] : memref<7808xi32, #tpu.memory_space<vmem>>[vector<16xi32>], vector<16xi32>,
    %swap3A_63 = arith.index_cast %rem3A_6 : i32 to index
    %swap3A_64 = arith.constant 48 : index
    %swap3A_65 = tpu.vector_load %arg7[%swap3A_63, %swap3A_64] {strides = array<i32>} : memref<2x128xi32, #tpu.memory_space<vmem>>, vector<16xi32>,
    tpu.vector_store %arg7[%swap3A_63, %swap3A_64], %gather3A_62 {strides = array<i32>} : memref<2x128xi32, #tpu.memory_space<vmem>>, vector<16xi32>,
    %add3A_66 = arith.constant 1 : i32
    %add3A_67 = vector.broadcast %add3A_66 : i32 to vector<16xi32>
    %add3A_68 = arith.addi %add3A_61, %add3A_67 : vector<16xi32>
    %gather3A_69 = tpu.vector_load_idx %arg6[%add3A_68] : memref<7808xi32, #tpu.memory_space<vmem>>[vector<16xi32>], vector<16xi32>,
    %swap3A_70 = arith.index_cast %rem3A_6 : i32 to index
    %swap3A_71 = arith.constant 48 : index
    %swap3A_72 = tpu.vector_load %arg8[%swap3A_70, %swap3A_71] {strides = array<i32>} : memref<2x128xi32, #tpu.memory_space<vmem>>, vector<16xi32>,
    tpu.vector_store %arg8[%swap3A_70, %swap3A_71], %gather3A_69 {strides = array<i32>} : memref<2x128xi32, #tpu.memory_space<vmem>>, vector<16xi32>,
    %mul3A_73 = arith.constant 2 : i32
    %mul3A_74 = vector.broadcast %mul3A_73 : i32 to vector<16xi32>
    %mul3A_75 = arith.muli %mul3A_74, %iota3A : vector<16xi32>
    %add3A_76 = arith.constant 140 : i32
    %add3A_77 = vector.broadcast %add3A_76 : i32 to vector<16xi32>
    %add3A_78 = arith.addi %add3A_77, %mul3A_75 : vector<16xi32>
    %gather3A_79 = tpu.vector_load_idx %arg6[%add3A_78] : memref<7808xi32, #tpu.memory_space<vmem>>[vector<16xi32>], vector<16xi32>,
    %swap3A_80 = arith.index_cast %rem3A_6 : i32 to index
    %swap3A_81 = arith.constant 64 : index
    %swap3A_82 = tpu.vector_load %arg7[%swap3A_80, %swap3A_81] {strides = array<i32>} : memref<2x128xi32, #tpu.memory_space<vmem>>, vector<16xi32>,
    tpu.vector_store %arg7[%swap3A_80, %swap3A_81], %gather3A_79 {strides = array<i32>} : memref<2x128xi32, #tpu.memory_space<vmem>>, vector<16xi32>,
    %add3A_83 = arith.constant 1 : i32
    %add3A_84 = vector.broadcast %add3A_83 : i32 to vector<16xi32>
    %add3A_85 = arith.addi %add3A_78, %add3A_84 : vector<16xi32>
    %gather3A_86 = tpu.vector_load_idx %arg6[%add3A_85] : memref<7808xi32, #tpu.memory_space<vmem>>[vector<16xi32>], vector<16xi32>,
    %swap3A_87 = arith.index_cast %rem3A_6 : i32 to index
    %swap3A_88 = arith.constant 64 : index
    %swap3A_89 = tpu.vector_load %arg8[%swap3A_87, %swap3A_88] {strides = array<i32>} : memref<2x128xi32, #tpu.memory_space<vmem>>, vector<16xi32>,
    tpu.vector_store %arg8[%swap3A_87, %swap3A_88], %gather3A_86 {strides = array<i32>} : memref<2x128xi32, #tpu.memory_space<vmem>>, vector<16xi32>,
    %mul3A_90 = arith.constant 2 : i32
    %mul3A_91 = vector.broadcast %mul3A_90 : i32 to vector<16xi32>
    %mul3A_92 = arith.muli %mul3A_91, %iota3A : vector<16xi32>
    %add3A_93 = arith.constant 172 : i32
    %add3A_94 = vector.broadcast %add3A_93 : i32 to vector<16xi32>
    %add3A_95 = arith.addi %add3A_94, %mul3A_92 : vector<16xi32>
    %gather3A_96 = tpu.vector_load_idx %arg6[%add3A_95] : memref<7808xi32, #tpu.memory_space<vmem>>[vector<16xi32>], vector<16xi32>,
    %swap3A_97 = arith.index_cast %rem3A_6 : i32 to index
    %swap3A_98 = arith.constant 80 : index
    %swap3A_99 = tpu.vector_load %arg7[%swap3A_97, %swap3A_98] {strides = array<i32>} : memref<2x128xi32, #tpu.memory_space<vmem>>, vector<16xi32>,
    tpu.vector_store %arg7[%swap3A_97, %swap3A_98], %gather3A_96 {strides = array<i32>} : memref<2x128xi32, #tpu.memory_space<vmem>>, vector<16xi32>,
    %add3A_100 = arith.constant 1 : i32
    %add3A_101 = vector.broadcast %add3A_100 : i32 to vector<16xi32>
    %add3A_102 = arith.addi %add3A_95, %add3A_101 : vector<16xi32>
    %gather3A_103 = tpu.vector_load_idx %arg6[%add3A_102] : memref<7808xi32, #tpu.memory_space<vmem>>[vector<16xi32>], vector<16xi32>,
    %swap3A_104 = arith.index_cast %rem3A_6 : i32 to index
    %swap3A_105 = arith.constant 80 : index
    %swap3A_106 = tpu.vector_load %arg8[%swap3A_104, %swap3A_105] {strides = array<i32>} : memref<2x128xi32, #tpu.memory_space<vmem>>, vector<16xi32>,
    tpu.vector_store %arg8[%swap3A_104, %swap3A_105], %gather3A_103 {strides = array<i32>} : memref<2x128xi32, #tpu.memory_space<vmem>>, vector<16xi32>,
    %mul3A_107 = arith.constant 2 : i32
    %mul3A_108 = vector.broadcast %mul3A_107 : i32 to vector<16xi32>
    %mul3A_109 = arith.muli %mul3A_108, %iota3A : vector<16xi32>
    %add3A_110 = arith.constant 204 : i32
    %add3A_111 = vector.broadcast %add3A_110 : i32 to vector<16xi32>
    %add3A_112 = arith.addi %add3A_111, %mul3A_109 : vector<16xi32>
    %gather3A_113 = tpu.vector_load_idx %arg6[%add3A_112] : memref<7808xi32, #tpu.memory_space<vmem>>[vector<16xi32>], vector<16xi32>,
    %swap3A_114 = arith.index_cast %rem3A_6 : i32 to index
    %swap3A_115 = arith.constant 96 : index
    %swap3A_116 = tpu.vector_load %arg7[%swap3A_114, %swap3A_115] {strides = array<i32>} : memref<2x128xi32, #tpu.memory_space<vmem>>, vector<16xi32>,
    tpu.vector_store %arg7[%swap3A_114, %swap3A_115], %gather3A_113 {strides = array<i32>} : memref<2x128xi32, #tpu.memory_space<vmem>>, vector<16xi32>,
    %add3A_117 = arith.constant 1 : i32
    %add3A_118 = vector.broadcast %add3A_117 : i32 to vector<16xi32>
    %add3A_119 = arith.addi %add3A_112, %add3A_118 : vector<16xi32>
    %gather3A_120 = tpu.vector_load_idx %arg6[%add3A_119] : memref<7808xi32, #tpu.memory_space<vmem>>[vector<16xi32>], vector<16xi32>,
    %swap3A_121 = arith.index_cast %rem3A_6 : i32 to index
    %swap3A_122 = arith.constant 96 : index
    %swap3A_123 = tpu.vector_load %arg8[%swap3A_121, %swap3A_122] {strides = array<i32>} : memref<2x128xi32, #tpu.memory_space<vmem>>, vector<16xi32>,
    tpu.vector_store %arg8[%swap3A_121, %swap3A_122], %gather3A_120 {strides = array<i32>} : memref<2x128xi32, #tpu.memory_space<vmem>>, vector<16xi32>,
    %mul3A_124 = arith.constant 2 : i32
    %mul3A_125 = vector.broadcast %mul3A_124 : i32 to vector<16xi32>
    %mul3A_126 = arith.muli %mul3A_125, %iota3A : vector<16xi32>
    %add3A_127 = arith.constant 236 : i32
    %add3A_128 = vector.broadcast %add3A_127 : i32 to vector<16xi32>
    %add3A_129 = arith.addi %add3A_128, %mul3A_126 : vector<16xi32>
    %gather3A_130 = tpu.vector_load_idx %arg6[%add3A_129] : memref<7808xi32, #tpu.memory_space<vmem>>[vector<16xi32>], vector<16xi32>,
    %swap3A_131 = arith.index_cast %rem3A_6 : i32 to index
    %swap3A_132 = arith.constant 112 : index
    %swap3A_133 = tpu.vector_load %arg7[%swap3A_131, %swap3A_132] {strides = array<i32>} : memref<2x128xi32, #tpu.memory_space<vmem>>, vector<16xi32>,
    tpu.vector_store %arg7[%swap3A_131, %swap3A_132], %gather3A_130 {strides = array<i32>} : memref<2x128xi32, #tpu.memory_space<vmem>>, vector<16xi32>,
    %add3A_134 = arith.constant 1 : i32
    %add3A_135 = vector.broadcast %add3A_134 : i32 to vector<16xi32>
    %add3A_136 = arith.addi %add3A_129, %add3A_135 : vector<16xi32>
    %gather3A_137 = tpu.vector_load_idx %arg6[%add3A_136] : memref<7808xi32, #tpu.memory_space<vmem>>[vector<16xi32>], vector<16xi32>,
    %swap3A_138 = arith.index_cast %rem3A_6 : i32 to index
    %swap3A_139 = arith.constant 112 : index
    %swap3A_140 = tpu.vector_load %arg8[%swap3A_138, %swap3A_139] {strides = array<i32>} : memref<2x128xi32, #tpu.memory_space<vmem>>, vector<16xi32>,
    tpu.vector_store %arg8[%swap3A_138, %swap3A_139], %gather3A_137 {strides = array<i32>} : memref<2x128xi32, #tpu.memory_space<vmem>>, vector<16xi32>,
    %rem3A_141 = arith.constant 0 : i32
    %rem3A_142 = arith.constant 2 : i32
    %rem3A_143 = arith.remsi %rem3A_141, %rem3A_142 : i32
    %dma_start3A = arith.constant 0 : i32
    %dma_start3A_144 = arith.constant 0 : i32
    %dma_start3A_145 = tpu.memref_slice %arg9[%rem3A_143, %dma_start3A, %dma_start3A_144] : memref<2x128x256xf32, #tpu.memory_space<vmem>> -> memref<1x128x256xf32, #tpu.memory_space<vmem>>
    %dma_start3A_146 = tpu.memref_squeeze %dma_start3A_145 : memref<1x128x256xf32, #tpu.memory_space<vmem>> -> memref<128x256xf32, #tpu.memory_space<vmem>>
    %dma_start3A_147 = arith.constant 0 : i32
    %dma_start3A_148 = arith.constant 0 : i32
    %dma_start3A_149 = tpu.memref_slice %dma_start3A_146[%dma_start3A_147, %dma_start3A_148] : memref<128x256xf32, #tpu.memory_space<vmem>> -> memref<128x128xf32, #tpu.memory_space<vmem>>
    %dma_start3A_150 = arith.constant 0 : i32
    %dma_start3A_151 = tpu.memref_slice %arg7[%rem3A_143, %dma_start3A_150] : memref<2x128xi32, #tpu.memory_space<vmem>> -> memref<1x128xi32, #tpu.memory_space<vmem>>
    %dma_start3A_152 = tpu.memref_squeeze %dma_start3A_151 : memref<1x128xi32, #tpu.memory_space<vmem>> -> memref<128xi32, #tpu.memory_space<vmem>>
    %dma_start3A_153 = arith.constant 0 : i32
    %dma_start3A_154 = arith.constant 0 : i32
    %dma_start3A_155 = tpu.memref_slice %arg3[%dma_start3A_153, %dma_start3A_154] : memref<40962x128xf32, #tpu.memory_space<hbm>> -> memref<40962x128xf32, #tpu.memory_space<hbm>>
    %dma_start3A_156 = tpu.memref_slice %arg11[%rem3A_143] : memref<2x!tpu.dma_semaphore, #tpu.memory_space<semaphore_mem>> -> memref<1x!tpu.dma_semaphore, #tpu.memory_space<semaphore_mem>>
    %dma_start3A_157 = tpu.memref_squeeze %dma_start3A_156 : memref<1x!tpu.dma_semaphore, #tpu.memory_space<semaphore_mem>> -> memref<!tpu.dma_semaphore, #tpu.memory_space<semaphore_mem>>
    tpu.enqueue_indirect_dma source(%dma_start3A_155 : memref<40962x128xf32, #tpu.memory_space<hbm>>) target(%dma_start3A_149 : memref<128x128xf32, #tpu.memory_space<vmem>>) offsets(%dma_start3A_152 : memref<128xi32, #tpu.memory_space<vmem>>) semaphore(%dma_start3A_157 : memref<!tpu.dma_semaphore, #tpu.memory_space<semaphore_mem>>)
    %dma_start3A_158 = arith.constant 0 : i32
    %dma_start3A_159 = arith.constant 0 : i32
    %dma_start3A_160 = tpu.memref_slice %arg9[%rem3A_143, %dma_start3A_158, %dma_start3A_159] : memref<2x128x256xf32, #tpu.memory_space<vmem>> -> memref<1x128x256xf32, #tpu.memory_space<vmem>>
    %dma_start3A_161 = tpu.memref_squeeze %dma_start3A_160 : memref<1x128x256xf32, #tpu.memory_space<vmem>> -> memref<128x256xf32, #tpu.memory_space<vmem>>
    %dma_start3A_162 = arith.constant 0 : i32
    %dma_start3A_163 = arith.constant 128 : i32
    %dma_start3A_164 = tpu.memref_slice %dma_start3A_161[%dma_start3A_162, %dma_start3A_163] : memref<128x256xf32, #tpu.memory_space<vmem>> -> memref<128x128xf32, #tpu.memory_space<vmem>>
    %dma_start3A_165 = arith.constant 0 : i32
    %dma_start3A_166 = tpu.memref_slice %arg8[%rem3A_143, %dma_start3A_165] : memref<2x128xi32, #tpu.memory_space<vmem>> -> memref<1x128xi32, #tpu.memory_space<vmem>>
    %dma_start3A_167 = tpu.memref_squeeze %dma_start3A_166 : memref<1x128xi32, #tpu.memory_space<vmem>> -> memref<128xi32, #tpu.memory_space<vmem>>
    %dma_start3A_168 = arith.constant 0 : i32
    %dma_start3A_169 = arith.constant 0 : i32
    %dma_start3A_170 = tpu.memref_slice %arg3[%dma_start3A_168, %dma_start3A_169] : memref<40962x128xf32, #tpu.memory_space<hbm>> -> memref<40962x128xf32, #tpu.memory_space<hbm>>
    %dma_start3A_171 = tpu.memref_slice %arg11[%rem3A_143] : memref<2x!tpu.dma_semaphore, #tpu.memory_space<semaphore_mem>> -> memref<1x!tpu.dma_semaphore, #tpu.memory_space<semaphore_mem>>
    %dma_start3A_172 = tpu.memref_squeeze %dma_start3A_171 : memref<1x!tpu.dma_semaphore, #tpu.memory_space<semaphore_mem>> -> memref<!tpu.dma_semaphore, #tpu.memory_space<semaphore_mem>>
    tpu.enqueue_indirect_dma source(%dma_start3A_170 : memref<40962x128xf32, #tpu.memory_space<hbm>>) target(%dma_start3A_164 : memref<128x128xf32, #tpu.memory_space<vmem>>) offsets(%dma_start3A_167 : memref<128xi32, #tpu.memory_space<vmem>>) semaphore(%dma_start3A_172 : memref<!tpu.dma_semaphore, #tpu.memory_space<semaphore_mem>>)
    %add3A_173 = arith.constant 0 : i32
    %add3A_174 = arith.addi %mul3A_2, %add3A_173 : i32
    %rem3A_175 = arith.constant 0 : i32
    %rem3A_176 = arith.constant 2 : i32
    %rem3A_177 = arith.remsi %rem3A_175, %rem3A_176 : i32
    %rem3A_178 = arith.constant 0 : i32
    %rem3A_179 = arith.constant 2 : i32
    %rem3A_180 = arith.remsi %rem3A_178, %rem3A_179 : i32
    %dma_start3A_181 = arith.constant 0 : i32
    %dma_start3A_182 = arith.constant 0 : i32
    %dma_start3A_183 = tpu.memref_slice %arg10[%rem3A_177, %dma_start3A_181, %dma_start3A_182] : memref<2x64x256xf32, #tpu.memory_space<vmem>> -> memref<1x64x256xf32, #tpu.memory_space<vmem>>
    %dma_start3A_184 = tpu.memref_squeeze %dma_start3A_183 : memref<1x64x256xf32, #tpu.memory_space<vmem>> -> memref<64x256xf32, #tpu.memory_space<vmem>>
    %dma_start3A_185 = arith.constant 0 : i32
    %dma_start3A_186 = tpu.memref_slice %arg2[%add3A_174, %dma_start3A_185] : memref<40962x256xf32, #tpu.memory_space<hbm>> -> memref<64x256xf32, #tpu.memory_space<hbm>>
    %dma_start3A_187 = tpu.memref_slice %arg12[%rem3A_180] : memref<2x!tpu.dma_semaphore, #tpu.memory_space<semaphore_mem>> -> memref<1x!tpu.dma_semaphore, #tpu.memory_space<semaphore_mem>>
    %dma_start3A_188 = tpu.memref_squeeze %dma_start3A_187 : memref<1x!tpu.dma_semaphore, #tpu.memory_space<semaphore_mem>> -> memref<!tpu.dma_semaphore, #tpu.memory_space<semaphore_mem>>
    %dma_start3A_189 = arith.constant 0 : i32
    %dma_start3A_190 = arith.constant 0 : i32
    %dma_start3A_191 = tpu.memref_slice %arg10[%rem3A_177, %dma_start3A_189, %dma_start3A_190] : memref<2x64x256xf32, #tpu.memory_space<vmem>> -> memref<1x64x256xf32, #tpu.memory_space<vmem>>
    %dma_start3A_192 = tpu.memref_squeeze %dma_start3A_191 : memref<1x64x256xf32, #tpu.memory_space<vmem>> -> memref<64x256xf32, #tpu.memory_space<vmem>>
    %dma_start3A_193 = arith.constant 0 : i32
    %dma_start3A_194 = tpu.memref_slice %arg2[%add3A_174, %dma_start3A_193] : memref<40962x256xf32, #tpu.memory_space<hbm>> -> memref<64x256xf32, #tpu.memory_space<hbm>>
    tpu.enqueue_dma source(%dma_start3A_194 : memref<64x256xf32, #tpu.memory_space<hbm>>) target(%dma_start3A_192 : memref<64x256xf32, #tpu.memory_space<vmem>>) target_semaphore(%dma_start3A_188 : memref<!tpu.dma_semaphore, #tpu.memory_space<semaphore_mem>>)
    %scan3A = arith.constant 0 : i32
    %scan3A_195 = arith.constant 0 : i32
    %scan3A_196 = arith.constant 30 : i32
    %scan3A_197 = arith.addi %scan3A_195, %scan3A_196 : i32
    %scan3A_198 = arith.constant 1 : i32
    scf.for %scan3A_200 = %scan3A_195 to %scan3A_197 step %scan3A_198  : i32 {
      %add3A_201 = arith.constant 2 : i32
      %add3A_202 = arith.addi %scan3A_200, %add3A_201 : i32
      %sub3A = arith.constant 1 : i32
      %sub3A_203 = arith.subi %add3A_202, %sub3A : i32
      %lt3A = arith.constant 30 : i32
      %lt3A_204 = arith.cmpi slt, %sub3A_203, %lt3A : i32
      %convert_element_type3A = arith.extui %lt3A_204 : i1 to i32
      %cond3A = arith.constant 0 : i32
      %cond3A_205 = arith.cmpi ne, %convert_element_type3A, %cond3A : i32
      scf.if %cond3A_205 {
        %add3A_250 = arith.constant 2 : i32
        %add3A_251 = arith.addi %scan3A_200, %add3A_250 : i32
        %sub3A_252 = arith.constant 1 : i32
        %sub3A_253 = arith.subi %add3A_251, %sub3A_252 : i32
        %rem3A_254 = arith.constant 2 : i32
        %rem3A_255 = arith.remsi %sub3A_253, %rem3A_254 : i32
        %mul3A_256 = arith.constant 256 : i32
        %mul3A_257 = arith.muli %sub3A_253, %mul3A_256 : i32
        %add3A_258 = arith.constant 12 : i32
        %add3A_259 = arith.addi %add3A_258, %mul3A_257 : i32
        %add3A_260 = arith.constant 0 : i32
        %add3A_261 = arith.addi %add3A_259, %add3A_260 : i32
        %mul3A_262 = arith.constant 2 : i32
        %mul3A_263 = vector.broadcast %mul3A_262 : i32 to vector<16xi32>
        %mul3A_264 = arith.muli %mul3A_263, %iota3A : vector<16xi32>
        %add3A_265 = vector.broadcast %add3A_261 : i32 to vector<16xi32>
        %add3A_266 = arith.addi %add3A_265, %mul3A_264 : vector<16xi32>
        %gather3A_267 = tpu.vector_load_idx %arg6[%add3A_266] : memref<7808xi32, #tpu.memory_space<vmem>>[vector<16xi32>], vector<16xi32>,
        %swap3A_268 = arith.index_cast %rem3A_255 : i32 to index
        %swap3A_269 = arith.constant 0 : index
        %swap3A_270 = tpu.vector_load %arg7[%swap3A_268, %swap3A_269] {strides = array<i32>} : memref<2x128xi32, #tpu.memory_space<vmem>>, vector<16xi32>,
        tpu.vector_store %arg7[%swap3A_268, %swap3A_269], %gather3A_267 {strides = array<i32>} : memref<2x128xi32, #tpu.memory_space<vmem>>, vector<16xi32>,
        %add3A_271 = arith.constant 1 : i32
        %add3A_272 = vector.broadcast %add3A_271 : i32 to vector<16xi32>
        %add3A_273 = arith.addi %add3A_266, %add3A_272 : vector<16xi32>
        %gather3A_274 = tpu.vector_load_idx %arg6[%add3A_273] : memref<7808xi32, #tpu.memory_space<vmem>>[vector<16xi32>], vector<16xi32>,
        %swap3A_275 = arith.index_cast %rem3A_255 : i32 to index
        %swap3A_276 = arith.constant 0 : index
        %swap3A_277 = tpu.vector_load %arg8[%swap3A_275, %swap3A_276] {strides = array<i32>} : memref<2x128xi32, #tpu.memory_space<vmem>>, vector<16xi32>,
        tpu.vector_store %arg8[%swap3A_275, %swap3A_276], %gather3A_274 {strides = array<i32>} : memref<2x128xi32, #tpu.memory_space<vmem>>, vector<16xi32>,
        %add3A_278 = arith.constant 32 : i32
        %add3A_279 = arith.addi %add3A_259, %add3A_278 : i32
        %mul3A_280 = arith.constant 2 : i32
        %mul3A_281 = vector.broadcast %mul3A_280 : i32 to vector<16xi32>
        %mul3A_282 = arith.muli %mul3A_281, %iota3A : vector<16xi32>
        %add3A_283 = vector.broadcast %add3A_279 : i32 to vector<16xi32>
        %add3A_284 = arith.addi %add3A_283, %mul3A_282 : vector<16xi32>
        %gather3A_285 = tpu.vector_load_idx %arg6[%add3A_284] : memref<7808xi32, #tpu.memory_space<vmem>>[vector<16xi32>], vector<16xi32>,
        %swap3A_286 = arith.index_cast %rem3A_255 : i32 to index
        %swap3A_287 = arith.constant 16 : index
        %swap3A_288 = tpu.vector_load %arg7[%swap3A_286, %swap3A_287] {strides = array<i32>} : memref<2x128xi32, #tpu.memory_space<vmem>>, vector<16xi32>,
        tpu.vector_store %arg7[%swap3A_286, %swap3A_287], %gather3A_285 {strides = array<i32>} : memref<2x128xi32, #tpu.memory_space<vmem>>, vector<16xi32>,
        %add3A_289 = arith.constant 1 : i32
        %add3A_290 = vector.broadcast %add3A_289 : i32 to vector<16xi32>
        %add3A_291 = arith.addi %add3A_284, %add3A_290 : vector<16xi32>
        %gather3A_292 = tpu.vector_load_idx %arg6[%add3A_291] : memref<7808xi32, #tpu.memory_space<vmem>>[vector<16xi32>], vector<16xi32>,
        %swap3A_293 = arith.index_cast %rem3A_255 : i32 to index
        %swap3A_294 = arith.constant 16 : index
        %swap3A_295 = tpu.vector_load %arg8[%swap3A_293, %swap3A_294] {strides = array<i32>} : memref<2x128xi32, #tpu.memory_space<vmem>>, vector<16xi32>,
        tpu.vector_store %arg8[%swap3A_293, %swap3A_294], %gather3A_292 {strides = array<i32>} : memref<2x128xi32, #tpu.memory_space<vmem>>, vector<16xi32>,
        %add3A_296 = arith.constant 64 : i32
        %add3A_297 = arith.addi %add3A_259, %add3A_296 : i32
        %mul3A_298 = arith.constant 2 : i32
        %mul3A_299 = vector.broadcast %mul3A_298 : i32 to vector<16xi32>
        %mul3A_300 = arith.muli %mul3A_299, %iota3A : vector<16xi32>
        %add3A_301 = vector.broadcast %add3A_297 : i32 to vector<16xi32>
        %add3A_302 = arith.addi %add3A_301, %mul3A_300 : vector<16xi32>
        %gather3A_303 = tpu.vector_load_idx %arg6[%add3A_302] : memref<7808xi32, #tpu.memory_space<vmem>>[vector<16xi32>], vector<16xi32>,
        %swap3A_304 = arith.index_cast %rem3A_255 : i32 to index
        %swap3A_305 = arith.constant 32 : index
        %swap3A_306 = tpu.vector_load %arg7[%swap3A_304, %swap3A_305] {strides = array<i32>} : memref<2x128xi32, #tpu.memory_space<vmem>>, vector<16xi32>,
        tpu.vector_store %arg7[%swap3A_304, %swap3A_305], %gather3A_303 {strides = array<i32>} : memref<2x128xi32, #tpu.memory_space<vmem>>, vector<16xi32>,
        %add3A_307 = arith.constant 1 : i32
        %add3A_308 = vector.broadcast %add3A_307 : i32 to vector<16xi32>
        %add3A_309 = arith.addi %add3A_302, %add3A_308 : vector<16xi32>
        %gather3A_310 = tpu.vector_load_idx %arg6[%add3A_309] : memref<7808xi32, #tpu.memory_space<vmem>>[vector<16xi32>], vector<16xi32>,
        %swap3A_311 = arith.index_cast %rem3A_255 : i32 to index
        %swap3A_312 = arith.constant 32 : index
        %swap3A_313 = tpu.vector_load %arg8[%swap3A_311, %swap3A_312] {strides = array<i32>} : memref<2x128xi32, #tpu.memory_space<vmem>>, vector<16xi32>,
        tpu.vector_store %arg8[%swap3A_311, %swap3A_312], %gather3A_310 {strides = array<i32>} : memref<2x128xi32, #tpu.memory_space<vmem>>, vector<16xi32>,
        %add3A_314 = arith.constant 96 : i32
        %add3A_315 = arith.addi %add3A_259, %add3A_314 : i32
        %mul3A_316 = arith.constant 2 : i32
        %mul3A_317 = vector.broadcast %mul3A_316 : i32 to vector<16xi32>
        %mul3A_318 = arith.muli %mul3A_317, %iota3A : vector<16xi32>
        %add3A_319 = vector.broadcast %add3A_315 : i32 to vector<16xi32>
        %add3A_320 = arith.addi %add3A_319, %mul3A_318 : vector<16xi32>
        %gather3A_321 = tpu.vector_load_idx %arg6[%add3A_320] : memref<7808xi32, #tpu.memory_space<vmem>>[vector<16xi32>], vector<16xi32>,
        %swap3A_322 = arith.index_cast %rem3A_255 : i32 to index
        %swap3A_323 = arith.constant 48 : index
        %swap3A_324 = tpu.vector_load %arg7[%swap3A_322, %swap3A_323] {strides = array<i32>} : memref<2x128xi32, #tpu.memory_space<vmem>>, vector<16xi32>,
        tpu.vector_store %arg7[%swap3A_322, %swap3A_323], %gather3A_321 {strides = array<i32>} : memref<2x128xi32, #tpu.memory_space<vmem>>, vector<16xi32>,
        %add3A_325 = arith.constant 1 : i32
        %add3A_326 = vector.broadcast %add3A_325 : i32 to vector<16xi32>
        %add3A_327 = arith.addi %add3A_320, %add3A_326 : vector<16xi32>
        %gather3A_328 = tpu.vector_load_idx %arg6[%add3A_327] : memref<7808xi32, #tpu.memory_space<vmem>>[vector<16xi32>], vector<16xi32>,
        %swap3A_329 = arith.index_cast %rem3A_255 : i32 to index
        %swap3A_330 = arith.constant 48 : index
        %swap3A_331 = tpu.vector_load %arg8[%swap3A_329, %swap3A_330] {strides = array<i32>} : memref<2x128xi32, #tpu.memory_space<vmem>>, vector<16xi32>,
        tpu.vector_store %arg8[%swap3A_329, %swap3A_330], %gather3A_328 {strides = array<i32>} : memref<2x128xi32, #tpu.memory_space<vmem>>, vector<16xi32>,
        %add3A_332 = arith.constant 128 : i32
        %add3A_333 = arith.addi %add3A_259, %add3A_332 : i32
        %mul3A_334 = arith.constant 2 : i32
        %mul3A_335 = vector.broadcast %mul3A_334 : i32 to vector<16xi32>
        %mul3A_336 = arith.muli %mul3A_335, %iota3A : vector<16xi32>
        %add3A_337 = vector.broadcast %add3A_333 : i32 to vector<16xi32>
        %add3A_338 = arith.addi %add3A_337, %mul3A_336 : vector<16xi32>
        %gather3A_339 = tpu.vector_load_idx %arg6[%add3A_338] : memref<7808xi32, #tpu.memory_space<vmem>>[vector<16xi32>], vector<16xi32>,
        %swap3A_340 = arith.index_cast %rem3A_255 : i32 to index
        %swap3A_341 = arith.constant 64 : index
        %swap3A_342 = tpu.vector_load %arg7[%swap3A_340, %swap3A_341] {strides = array<i32>} : memref<2x128xi32, #tpu.memory_space<vmem>>, vector<16xi32>,
        tpu.vector_store %arg7[%swap3A_340, %swap3A_341], %gather3A_339 {strides = array<i32>} : memref<2x128xi32, #tpu.memory_space<vmem>>, vector<16xi32>,
        %add3A_343 = arith.constant 1 : i32
        %add3A_344 = vector.broadcast %add3A_343 : i32 to vector<16xi32>
        %add3A_345 = arith.addi %add3A_338, %add3A_344 : vector<16xi32>
        %gather3A_346 = tpu.vector_load_idx %arg6[%add3A_345] : memref<7808xi32, #tpu.memory_space<vmem>>[vector<16xi32>], vector<16xi32>,
        %swap3A_347 = arith.index_cast %rem3A_255 : i32 to index
        %swap3A_348 = arith.constant 64 : index
        %swap3A_349 = tpu.vector_load %arg8[%swap3A_347, %swap3A_348] {strides = array<i32>} : memref<2x128xi32, #tpu.memory_space<vmem>>, vector<16xi32>,
        tpu.vector_store %arg8[%swap3A_347, %swap3A_348], %gather3A_346 {strides = array<i32>} : memref<2x128xi32, #tpu.memory_space<vmem>>, vector<16xi32>,
        %add3A_350 = arith.constant 160 : i32
        %add3A_351 = arith.addi %add3A_259, %add3A_350 : i32
        %mul3A_352 = arith.constant 2 : i32
        %mul3A_353 = vector.broadcast %mul3A_352 : i32 to vector<16xi32>
        %mul3A_354 = arith.muli %mul3A_353, %iota3A : vector<16xi32>
        %add3A_355 = vector.broadcast %add3A_351 : i32 to vector<16xi32>
        %add3A_356 = arith.addi %add3A_355, %mul3A_354 : vector<16xi32>
        %gather3A_357 = tpu.vector_load_idx %arg6[%add3A_356] : memref<7808xi32, #tpu.memory_space<vmem>>[vector<16xi32>], vector<16xi32>,
        %swap3A_358 = arith.index_cast %rem3A_255 : i32 to index
        %swap3A_359 = arith.constant 80 : index
        %swap3A_360 = tpu.vector_load %arg7[%swap3A_358, %swap3A_359] {strides = array<i32>} : memref<2x128xi32, #tpu.memory_space<vmem>>, vector<16xi32>,
        tpu.vector_store %arg7[%swap3A_358, %swap3A_359], %gather3A_357 {strides = array<i32>} : memref<2x128xi32, #tpu.memory_space<vmem>>, vector<16xi32>,
        %add3A_361 = arith.constant 1 : i32
        %add3A_362 = vector.broadcast %add3A_361 : i32 to vector<16xi32>
        %add3A_363 = arith.addi %add3A_356, %add3A_362 : vector<16xi32>
        %gather3A_364 = tpu.vector_load_idx %arg6[%add3A_363] : memref<7808xi32, #tpu.memory_space<vmem>>[vector<16xi32>], vector<16xi32>,
        %swap3A_365 = arith.index_cast %rem3A_255 : i32 to index
        %swap3A_366 = arith.constant 80 : index
        %swap3A_367 = tpu.vector_load %arg8[%swap3A_365, %swap3A_366] {strides = array<i32>} : memref<2x128xi32, #tpu.memory_space<vmem>>, vector<16xi32>,
        tpu.vector_store %arg8[%swap3A_365, %swap3A_366], %gather3A_364 {strides = array<i32>} : memref<2x128xi32, #tpu.memory_space<vmem>>, vector<16xi32>,
        %add3A_368 = arith.constant 192 : i32
        %add3A_369 = arith.addi %add3A_259, %add3A_368 : i32
        %mul3A_370 = arith.constant 2 : i32
        %mul3A_371 = vector.broadcast %mul3A_370 : i32 to vector<16xi32>
        %mul3A_372 = arith.muli %mul3A_371, %iota3A : vector<16xi32>
        %add3A_373 = vector.broadcast %add3A_369 : i32 to vector<16xi32>
        %add3A_374 = arith.addi %add3A_373, %mul3A_372 : vector<16xi32>
        %gather3A_375 = tpu.vector_load_idx %arg6[%add3A_374] : memref<7808xi32, #tpu.memory_space<vmem>>[vector<16xi32>], vector<16xi32>,
        %swap3A_376 = arith.index_cast %rem3A_255 : i32 to index
        %swap3A_377 = arith.constant 96 : index
        %swap3A_378 = tpu.vector_load %arg7[%swap3A_376, %swap3A_377] {strides = array<i32>} : memref<2x128xi32, #tpu.memory_space<vmem>>, vector<16xi32>,
        tpu.vector_store %arg7[%swap3A_376, %swap3A_377], %gather3A_375 {strides = array<i32>} : memref<2x128xi32, #tpu.memory_space<vmem>>, vector<16xi32>,
        %add3A_379 = arith.constant 1 : i32
        %add3A_380 = vector.broadcast %add3A_379 : i32 to vector<16xi32>
        %add3A_381 = arith.addi %add3A_374, %add3A_380 : vector<16xi32>
        %gather3A_382 = tpu.vector_load_idx %arg6[%add3A_381] : memref<7808xi32, #tpu.memory_space<vmem>>[vector<16xi32>], vector<16xi32>,
        %swap3A_383 = arith.index_cast %rem3A_255 : i32 to index
        %swap3A_384 = arith.constant 96 : index
        %swap3A_385 = tpu.vector_load %arg8[%swap3A_383, %swap3A_384] {strides = array<i32>} : memref<2x128xi32, #tpu.memory_space<vmem>>, vector<16xi32>,
        tpu.vector_store %arg8[%swap3A_383, %swap3A_384], %gather3A_382 {strides = array<i32>} : memref<2x128xi32, #tpu.memory_space<vmem>>, vector<16xi32>,
        %add3A_386 = arith.constant 224 : i32
        %add3A_387 = arith.addi %add3A_259, %add3A_386 : i32
        %mul3A_388 = arith.constant 2 : i32
        %mul3A_389 = vector.broadcast %mul3A_388 : i32 to vector<16xi32>
        %mul3A_390 = arith.muli %mul3A_389, %iota3A : vector<16xi32>
        %add3A_391 = vector.broadcast %add3A_387 : i32 to vector<16xi32>
        %add3A_392 = arith.addi %add3A_391, %mul3A_390 : vector<16xi32>
        %gather3A_393 = tpu.vector_load_idx %arg6[%add3A_392] : memref<7808xi32, #tpu.memory_space<vmem>>[vector<16xi32>], vector<16xi32>,
        %swap3A_394 = arith.index_cast %rem3A_255 : i32 to index
        %swap3A_395 = arith.constant 112 : index
        %swap3A_396 = tpu.vector_load %arg7[%swap3A_394, %swap3A_395] {strides = array<i32>} : memref<2x128xi32, #tpu.memory_space<vmem>>, vector<16xi32>,
        tpu.vector_store %arg7[%swap3A_394, %swap3A_395], %gather3A_393 {strides = array<i32>} : memref<2x128xi32, #tpu.memory_space<vmem>>, vector<16xi32>,
        %add3A_397 = arith.constant 1 : i32
        %add3A_398 = vector.broadcast %add3A_397 : i32 to vector<16xi32>
        %add3A_399 = arith.addi %add3A_392, %add3A_398 : vector<16xi32>
        %gather3A_400 = tpu.vector_load_idx %arg6[%add3A_399] : memref<7808xi32, #tpu.memory_space<vmem>>[vector<16xi32>], vector<16xi32>,
        %swap3A_401 = arith.index_cast %rem3A_255 : i32 to index
        %swap3A_402 = arith.constant 112 : index
        %swap3A_403 = tpu.vector_load %arg8[%swap3A_401, %swap3A_402] {strides = array<i32>} : memref<2x128xi32, #tpu.memory_space<vmem>>, vector<16xi32>,
        tpu.vector_store %arg8[%swap3A_401, %swap3A_402], %gather3A_400 {strides = array<i32>} : memref<2x128xi32, #tpu.memory_space<vmem>>, vector<16xi32>,
        %add3A_404 = arith.constant 2 : i32
        %add3A_405 = arith.addi %scan3A_200, %add3A_404 : i32
        %sub3A_406 = arith.constant 1 : i32
        %sub3A_407 = arith.subi %add3A_405, %sub3A_406 : i32
        %rem3A_408 = arith.constant 2 : i32
        %rem3A_409 = arith.remsi %sub3A_407, %rem3A_408 : i32
        %dma_start3A_410 = arith.constant 0 : i32
        %dma_start3A_411 = arith.constant 0 : i32
        %dma_start3A_412 = tpu.memref_slice %arg9[%rem3A_409, %dma_start3A_410, %dma_start3A_411] : memref<2x128x256xf32, #tpu.memory_space<vmem>> -> memref<1x128x256xf32, #tpu.memory_space<vmem>>
        %dma_start3A_413 = tpu.memref_squeeze %dma_start3A_412 : memref<1x128x256xf32, #tpu.memory_space<vmem>> -> memref<128x256xf32, #tpu.memory_space<vmem>>
        %dma_start3A_414 = arith.constant 0 : i32
        %dma_start3A_415 = arith.constant 0 : i32
        %dma_start3A_416 = tpu.memref_slice %dma_start3A_413[%dma_start3A_414, %dma_start3A_415] : memref<128x256xf32, #tpu.memory_space<vmem>> -> memref<128x128xf32, #tpu.memory_space<vmem>>
        %dma_start3A_417 = arith.constant 0 : i32
        %dma_start3A_418 = tpu.memref_slice %arg7[%rem3A_409, %dma_start3A_417] : memref<2x128xi32, #tpu.memory_space<vmem>> -> memref<1x128xi32, #tpu.memory_space<vmem>>
        %dma_start3A_419 = tpu.memref_squeeze %dma_start3A_418 : memref<1x128xi32, #tpu.memory_space<vmem>> -> memref<128xi32, #tpu.memory_space<vmem>>
        %dma_start3A_420 = arith.constant 0 : i32
        %dma_start3A_421 = arith.constant 0 : i32
        %dma_start3A_422 = tpu.memref_slice %arg3[%dma_start3A_420, %dma_start3A_421] : memref<40962x128xf32, #tpu.memory_space<hbm>> -> memref<40962x128xf32, #tpu.memory_space<hbm>>
        %dma_start3A_423 = tpu.memref_slice %arg11[%rem3A_409] : memref<2x!tpu.dma_semaphore, #tpu.memory_space<semaphore_mem>> -> memref<1x!tpu.dma_semaphore, #tpu.memory_space<semaphore_mem>>
        %dma_start3A_424 = tpu.memref_squeeze %dma_start3A_423 : memref<1x!tpu.dma_semaphore, #tpu.memory_space<semaphore_mem>> -> memref<!tpu.dma_semaphore, #tpu.memory_space<semaphore_mem>>
        tpu.enqueue_indirect_dma source(%dma_start3A_422 : memref<40962x128xf32, #tpu.memory_space<hbm>>) target(%dma_start3A_416 : memref<128x128xf32, #tpu.memory_space<vmem>>) offsets(%dma_start3A_419 : memref<128xi32, #tpu.memory_space<vmem>>) semaphore(%dma_start3A_424 : memref<!tpu.dma_semaphore, #tpu.memory_space<semaphore_mem>>)
        %dma_start3A_425 = arith.constant 0 : i32
        %dma_start3A_426 = arith.constant 0 : i32
        %dma_start3A_427 = tpu.memref_slice %arg9[%rem3A_409, %dma_start3A_425, %dma_start3A_426] : memref<2x128x256xf32, #tpu.memory_space<vmem>> -> memref<1x128x256xf32, #tpu.memory_space<vmem>>
        %dma_start3A_428 = tpu.memref_squeeze %dma_start3A_427 : memref<1x128x256xf32, #tpu.memory_space<vmem>> -> memref<128x256xf32, #tpu.memory_space<vmem>>
        %dma_start3A_429 = arith.constant 0 : i32
        %dma_start3A_430 = arith.constant 128 : i32
        %dma_start3A_431 = tpu.memref_slice %dma_start3A_428[%dma_start3A_429, %dma_start3A_430] : memref<128x256xf32, #tpu.memory_space<vmem>> -> memref<128x128xf32, #tpu.memory_space<vmem>>
        %dma_start3A_432 = arith.constant 0 : i32
        %dma_start3A_433 = tpu.memref_slice %arg8[%rem3A_409, %dma_start3A_432] : memref<2x128xi32, #tpu.memory_space<vmem>> -> memref<1x128xi32, #tpu.memory_space<vmem>>
        %dma_start3A_434 = tpu.memref_squeeze %dma_start3A_433 : memref<1x128xi32, #tpu.memory_space<vmem>> -> memref<128xi32, #tpu.memory_space<vmem>>
        %dma_start3A_435 = arith.constant 0 : i32
        %dma_start3A_436 = arith.constant 0 : i32
        %dma_start3A_437 = tpu.memref_slice %arg3[%dma_start3A_435, %dma_start3A_436] : memref<40962x128xf32, #tpu.memory_space<hbm>> -> memref<40962x128xf32, #tpu.memory_space<hbm>>
        %dma_start3A_438 = tpu.memref_slice %arg11[%rem3A_409] : memref<2x!tpu.dma_semaphore, #tpu.memory_space<semaphore_mem>> -> memref<1x!tpu.dma_semaphore, #tpu.memory_space<semaphore_mem>>
        %dma_start3A_439 = tpu.memref_squeeze %dma_start3A_438 : memref<1x!tpu.dma_semaphore, #tpu.memory_space<semaphore_mem>> -> memref<!tpu.dma_semaphore, #tpu.memory_space<semaphore_mem>>
        tpu.enqueue_indirect_dma source(%dma_start3A_437 : memref<40962x128xf32, #tpu.memory_space<hbm>>) target(%dma_start3A_431 : memref<128x128xf32, #tpu.memory_space<vmem>>) offsets(%dma_start3A_434 : memref<128xi32, #tpu.memory_space<vmem>>) semaphore(%dma_start3A_439 : memref<!tpu.dma_semaphore, #tpu.memory_space<semaphore_mem>>)
      } else {
      }
      %add3A_206 = arith.constant 1 : i32
      %add3A_207 = arith.addi %scan3A_200, %add3A_206 : i32
      %lt3A_208 = arith.constant 20 : i32
      %lt3A_209 = arith.cmpi slt, %add3A_207, %lt3A_208 : i32
      %convert_element_type3A_210 = arith.extui %lt3A_209 : i1 to i32
      %cond3A_211 = arith.constant 0 : i32
      %cond3A_212 = arith.cmpi ne, %convert_element_type3A_210, %cond3A_211 : i32
      scf.if %cond3A_212 {
        %add3A_250 = arith.constant 1 : i32
        %add3A_251 = arith.addi %scan3A_200, %add3A_250 : i32
        %mul3A_252 = arith.constant 64 : i32
        %mul3A_253 = arith.muli %add3A_251, %mul3A_252 : i32
        %add3A_254 = arith.addi %mul3A_2, %mul3A_253 : i32
        %rem3A_255 = arith.constant 2 : i32
        %rem3A_256 = arith.remsi %add3A_251, %rem3A_255 : i32
        %rem3A_257 = arith.constant 2 : i32
        %rem3A_258 = arith.remsi %add3A_251, %rem3A_257 : i32
        %dma_start3A_259 = arith.constant 0 : i32
        %dma_start3A_260 = arith.constant 0 : i32
        %dma_start3A_261 = tpu.memref_slice %arg10[%rem3A_256, %dma_start3A_259, %dma_start3A_260] : memref<2x64x256xf32, #tpu.memory_space<vmem>> -> memref<1x64x256xf32, #tpu.memory_space<vmem>>
        %dma_start3A_262 = tpu.memref_squeeze %dma_start3A_261 : memref<1x64x256xf32, #tpu.memory_space<vmem>> -> memref<64x256xf32, #tpu.memory_space<vmem>>
        %dma_start3A_263 = arith.constant 0 : i32
        %dma_start3A_264 = tpu.memref_slice %arg2[%add3A_254, %dma_start3A_263] : memref<40962x256xf32, #tpu.memory_space<hbm>> -> memref<64x256xf32, #tpu.memory_space<hbm>>
        %dma_start3A_265 = tpu.memref_slice %arg12[%rem3A_258] : memref<2x!tpu.dma_semaphore, #tpu.memory_space<semaphore_mem>> -> memref<1x!tpu.dma_semaphore, #tpu.memory_space<semaphore_mem>>
        %dma_start3A_266 = tpu.memref_squeeze %dma_start3A_265 : memref<1x!tpu.dma_semaphore, #tpu.memory_space<semaphore_mem>> -> memref<!tpu.dma_semaphore, #tpu.memory_space<semaphore_mem>>
        %dma_start3A_267 = arith.constant 0 : i32
        %dma_start3A_268 = arith.constant 0 : i32
        %dma_start3A_269 = tpu.memref_slice %arg10[%rem3A_256, %dma_start3A_267, %dma_start3A_268] : memref<2x64x256xf32, #tpu.memory_space<vmem>> -> memref<1x64x256xf32, #tpu.memory_space<vmem>>
        %dma_start3A_270 = tpu.memref_squeeze %dma_start3A_269 : memref<1x64x256xf32, #tpu.memory_space<vmem>> -> memref<64x256xf32, #tpu.memory_space<vmem>>
        %dma_start3A_271 = arith.constant 0 : i32
        %dma_start3A_272 = tpu.memref_slice %arg2[%add3A_254, %dma_start3A_271] : memref<40962x256xf32, #tpu.memory_space<hbm>> -> memref<64x256xf32, #tpu.memory_space<hbm>>
        tpu.enqueue_dma source(%dma_start3A_272 : memref<64x256xf32, #tpu.memory_space<hbm>>) target(%dma_start3A_270 : memref<64x256xf32, #tpu.memory_space<vmem>>) target_semaphore(%dma_start3A_266 : memref<!tpu.dma_semaphore, #tpu.memory_space<semaphore_mem>>)
      } else {
      }
      %lt3A_213 = arith.constant 20 : i32
      %lt3A_214 = arith.cmpi slt, %scan3A_200, %lt3A_213 : i32
      %convert_element_type3A_215 = arith.extui %lt3A_214 : i1 to i32
      %cond3A_216 = arith.constant 0 : i32
      %cond3A_217 = arith.cmpi ne, %convert_element_type3A_215, %cond3A_216 : i32
      scf.if %cond3A_217 {
        %rem3A_250 = arith.constant 2 : i32
        %rem3A_251 = arith.remsi %scan3A_200, %rem3A_250 : i32
        %mul3A_252 = arith.constant 64 : i32
        %mul3A_253 = arith.muli %scan3A_200, %mul3A_252 : i32
        %add3A_254 = arith.addi %mul3A_2, %mul3A_253 : i32
        %dma_wait3A_255 = arith.constant 0 : i32
        %dma_wait3A_256 = arith.constant 0 : i32
        %dma_wait3A_257 = tpu.memref_slice %arg10[%rem3A_251, %dma_wait3A_255, %dma_wait3A_256] : memref<2x64x256xf32, #tpu.memory_space<vmem>> -> memref<1x64x256xf32, #tpu.memory_space<vmem>>
        %dma_wait3A_258 = tpu.memref_squeeze %dma_wait3A_257 : memref<1x64x256xf32, #tpu.memory_space<vmem>> -> memref<64x256xf32, #tpu.memory_space<vmem>>
        %dma_wait3A_259 = arith.constant 0 : i32
        %dma_wait3A_260 = tpu.memref_slice %arg2[%add3A_254, %dma_wait3A_259] : memref<40962x256xf32, #tpu.memory_space<hbm>> -> memref<64x256xf32, #tpu.memory_space<hbm>>
        %dma_wait3A_261 = tpu.memref_slice %arg12[%rem3A_251] : memref<2x!tpu.dma_semaphore, #tpu.memory_space<semaphore_mem>> -> memref<1x!tpu.dma_semaphore, #tpu.memory_space<semaphore_mem>>
        %dma_wait3A_262 = tpu.memref_squeeze %dma_wait3A_261 : memref<1x!tpu.dma_semaphore, #tpu.memory_space<semaphore_mem>> -> memref<!tpu.dma_semaphore, #tpu.memory_space<semaphore_mem>>
        %dma_wait3A_263 = arith.constant 0 : i32
        %dma_wait3A_264 = arith.constant 0 : i32
        %dma_wait3A_265 = tpu.memref_slice %arg10[%rem3A_251, %dma_wait3A_263, %dma_wait3A_264] : memref<2x64x256xf32, #tpu.memory_space<vmem>> -> memref<1x64x256xf32, #tpu.memory_space<vmem>>
        %dma_wait3A_266 = tpu.memref_squeeze %dma_wait3A_265 : memref<1x64x256xf32, #tpu.memory_space<vmem>> -> memref<64x256xf32, #tpu.memory_space<vmem>>
        %dma_wait3A_267 = arith.constant 0 : i32
        %dma_wait3A_268 = tpu.memref_slice %arg2[%add3A_254, %dma_wait3A_267] : memref<40962x256xf32, #tpu.memory_space<hbm>> -> memref<64x256xf32, #tpu.memory_space<hbm>>
        tpu.wait_dma2 semaphore(%dma_wait3A_262 : memref<!tpu.dma_semaphore, #tpu.memory_space<semaphore_mem>>) src(%dma_wait3A_268 : memref<64x256xf32, #tpu.memory_space<hbm>>) dst(%dma_wait3A_266 : memref<64x256xf32, #tpu.memory_space<vmem>>)
        %mul3A_269 = arith.constant 64 : i32
        %mul3A_270 = arith.muli %scan3A_200, %mul3A_269 : i32
        %add3A_271 = arith.addi %mul3A_2, %mul3A_270 : i32
        "tpu.region"() ({
          %run_scoped3A = tpu.sem_alloc : memref<!tpu.dma_semaphore, #tpu.memory_space<semaphore_mem>>
          %dma_start3A_272 = arith.constant 0 : i32
          %dma_start3A_273 = arith.constant 0 : i32
          %dma_start3A_274 = tpu.memref_slice %arg10[%rem3A_251, %dma_start3A_272, %dma_start3A_273] : memref<2x64x256xf32, #tpu.memory_space<vmem>> -> memref<1x64x256xf32, #tpu.memory_space<vmem>>
          %dma_start3A_275 = tpu.memref_squeeze %dma_start3A_274 : memref<1x64x256xf32, #tpu.memory_space<vmem>> -> memref<64x256xf32, #tpu.memory_space<vmem>>
          %dma_start3A_276 = arith.constant 0 : i32
          %dma_start3A_277 = tpu.memref_slice %arg5[%add3A_271, %dma_start3A_276] : memref<163842x256xf32, #tpu.memory_space<hbm>> -> memref<64x256xf32, #tpu.memory_space<hbm>>
          %dma_start3A_278 = arith.constant 0 : i32
          %dma_start3A_279 = tpu.memref_slice %arg5[%add3A_271, %dma_start3A_278] : memref<163842x256xf32, #tpu.memory_space<hbm>> -> memref<64x256xf32, #tpu.memory_space<hbm>>
          %dma_start3A_280 = arith.constant 0 : i32
          %dma_start3A_281 = arith.constant 0 : i32
          %dma_start3A_282 = tpu.memref_slice %arg10[%rem3A_251, %dma_start3A_280, %dma_start3A_281] : memref<2x64x256xf32, #tpu.memory_space<vmem>> -> memref<1x64x256xf32, #tpu.memory_space<vmem>>
          %dma_start3A_283 = tpu.memref_squeeze %dma_start3A_282 : memref<1x64x256xf32, #tpu.memory_space<vmem>> -> memref<64x256xf32, #tpu.memory_space<vmem>>
          tpu.enqueue_dma source(%dma_start3A_283 : memref<64x256xf32, #tpu.memory_space<vmem>>) target(%dma_start3A_279 : memref<64x256xf32, #tpu.memory_space<hbm>>) target_semaphore(%run_scoped3A : memref<!tpu.dma_semaphore, #tpu.memory_space<semaphore_mem>>)
          %dma_wait3A_284 = arith.constant 0 : i32
          %dma_wait3A_285 = arith.constant 0 : i32
          %dma_wait3A_286 = tpu.memref_slice %arg10[%rem3A_251, %dma_wait3A_284, %dma_wait3A_285] : memref<2x64x256xf32, #tpu.memory_space<vmem>> -> memref<1x64x256xf32, #tpu.memory_space<vmem>>
          %dma_wait3A_287 = tpu.memref_squeeze %dma_wait3A_286 : memref<1x64x256xf32, #tpu.memory_space<vmem>> -> memref<64x256xf32, #tpu.memory_space<vmem>>
          %dma_wait3A_288 = arith.constant 0 : i32
          %dma_wait3A_289 = tpu.memref_slice %arg5[%add3A_271, %dma_wait3A_288] : memref<163842x256xf32, #tpu.memory_space<hbm>> -> memref<64x256xf32, #tpu.memory_space<hbm>>
          %dma_wait3A_290 = arith.constant 0 : i32
          %dma_wait3A_291 = tpu.memref_slice %arg5[%add3A_271, %dma_wait3A_290] : memref<163842x256xf32, #tpu.memory_space<hbm>> -> memref<64x256xf32, #tpu.memory_space<hbm>>
          %dma_wait3A_292 = arith.constant 0 : i32
          %dma_wait3A_293 = arith.constant 0 : i32
          %dma_wait3A_294 = tpu.memref_slice %arg10[%rem3A_251, %dma_wait3A_292, %dma_wait3A_293] : memref<2x64x256xf32, #tpu.memory_space<vmem>> -> memref<1x64x256xf32, #tpu.memory_space<vmem>>
          %dma_wait3A_295 = tpu.memref_squeeze %dma_wait3A_294 : memref<1x64x256xf32, #tpu.memory_space<vmem>> -> memref<64x256xf32, #tpu.memory_space<vmem>>
          tpu.wait_dma2 semaphore(%run_scoped3A : memref<!tpu.dma_semaphore, #tpu.memory_space<semaphore_mem>>) src(%dma_wait3A_295 : memref<64x256xf32, #tpu.memory_space<vmem>>) dst(%dma_wait3A_291 : memref<64x256xf32, #tpu.memory_space<hbm>>)
          tpu.yield
        }) : () -> ()
      } else {
      }
      %rem3A_218 = arith.constant 2 : i32
      %rem3A_219 = arith.remsi %scan3A_200, %rem3A_218 : i32
      %dma_wait3A = arith.constant 0 : i32
      %dma_wait3A_220 = arith.constant 0 : i32
      %dma_wait3A_221 = tpu.memref_slice %arg9[%rem3A_219, %dma_wait3A, %dma_wait3A_220] : memref<2x128x256xf32, #tpu.memory_space<vmem>> -> memref<1x128x256xf32, #tpu.memory_space<vmem>>
      %dma_wait3A_222 = tpu.memref_squeeze %dma_wait3A_221 : memref<1x128x256xf32, #tpu.memory_space<vmem>> -> memref<128x256xf32, #tpu.memory_space<vmem>>
      %dma_wait3A_223 = arith.constant 0 : i32
      %dma_wait3A_224 = arith.constant 0 : i32
      %dma_wait3A_225 = tpu.memref_slice %arg2[%dma_wait3A_223, %dma_wait3A_224] : memref<40962x256xf32, #tpu.memory_space<hbm>> -> memref<128x256xf32, #tpu.memory_space<hbm>>
      %dma_wait3A_226 = tpu.memref_slice %arg11[%rem3A_219] : memref<2x!tpu.dma_semaphore, #tpu.memory_space<semaphore_mem>> -> memref<1x!tpu.dma_semaphore, #tpu.memory_space<semaphore_mem>>
      %dma_wait3A_227 = tpu.memref_squeeze %dma_wait3A_226 : memref<1x!tpu.dma_semaphore, #tpu.memory_space<semaphore_mem>> -> memref<!tpu.dma_semaphore, #tpu.memory_space<semaphore_mem>>
      %dma_wait3A_228 = arith.constant 0 : i32
      %dma_wait3A_229 = arith.constant 0 : i32
      %dma_wait3A_230 = tpu.memref_slice %arg9[%rem3A_219, %dma_wait3A_228, %dma_wait3A_229] : memref<2x128x256xf32, #tpu.memory_space<vmem>> -> memref<1x128x256xf32, #tpu.memory_space<vmem>>
      %dma_wait3A_231 = tpu.memref_squeeze %dma_wait3A_230 : memref<1x128x256xf32, #tpu.memory_space<vmem>> -> memref<128x256xf32, #tpu.memory_space<vmem>>
      %dma_wait3A_232 = arith.constant 0 : i32
      %dma_wait3A_233 = arith.constant 0 : i32
      %dma_wait3A_234 = tpu.memref_slice %arg2[%dma_wait3A_232, %dma_wait3A_233] : memref<40962x256xf32, #tpu.memory_space<hbm>> -> memref<128x256xf32, #tpu.memory_space<hbm>>
      tpu.wait_dma2 semaphore(%dma_wait3A_227 : memref<!tpu.dma_semaphore, #tpu.memory_space<semaphore_mem>>) src(%dma_wait3A_234 : memref<128x256xf32, #tpu.memory_space<hbm>>) dst(%dma_wait3A_231 : memref<128x256xf32, #tpu.memory_space<vmem>>)
      %mul3A_235 = arith.constant 30 : i32
      %mul3A_236 = arith.muli %add3A, %mul3A_235 : i32
      %add3A_237 = arith.addi %mul3A_236, %scan3A_200 : i32
      %mul3A_238 = arith.constant 128 : i32
      %mul3A_239 = arith.muli %add3A_237, %mul3A_238 : i32
      %add3A_240 = arith.constant 40968 : i32
      %add3A_241 = arith.addi %add3A_240, %mul3A_239 : i32
      %ne3A = arith.constant 959 : i32
      %ne3A_242 = arith.cmpi ne, %add3A_237, %ne3A : i32
      %convert_element_type3A_243 = arith.extui %ne3A_242 : i1 to i32
      %cond3A_244 = arith.constant 0 : i32
      %cond3A_245 = arith.cmpi ne, %convert_element_type3A_243, %cond3A_244 : i32
      scf.if %cond3A_245 {
        "tpu.region"() ({
          %run_scoped3A = tpu.sem_alloc : memref<!tpu.dma_semaphore, #tpu.memory_space<semaphore_mem>>
          %dma_start3A_250 = arith.constant 0 : i32
          %dma_start3A_251 = arith.constant 0 : i32
          %dma_start3A_252 = tpu.memref_slice %arg9[%rem3A_219, %dma_start3A_250, %dma_start3A_251] : memref<2x128x256xf32, #tpu.memory_space<vmem>> -> memref<1x128x256xf32, #tpu.memory_space<vmem>>
          %dma_start3A_253 = tpu.memref_squeeze %dma_start3A_252 : memref<1x128x256xf32, #tpu.memory_space<vmem>> -> memref<128x256xf32, #tpu.memory_space<vmem>>
          %dma_start3A_254 = arith.constant 0 : i32
          %dma_start3A_255 = tpu.memref_slice %arg5[%add3A_241, %dma_start3A_254] : memref<163842x256xf32, #tpu.memory_space<hbm>> -> memref<128x256xf32, #tpu.memory_space<hbm>>
          %dma_start3A_256 = arith.constant 0 : i32
          %dma_start3A_257 = tpu.memref_slice %arg5[%add3A_241, %dma_start3A_256] : memref<163842x256xf32, #tpu.memory_space<hbm>> -> memref<128x256xf32, #tpu.memory_space<hbm>>
          %dma_start3A_258 = arith.constant 0 : i32
          %dma_start3A_259 = arith.constant 0 : i32
          %dma_start3A_260 = tpu.memref_slice %arg9[%rem3A_219, %dma_start3A_258, %dma_start3A_259] : memref<2x128x256xf32, #tpu.memory_space<vmem>> -> memref<1x128x256xf32, #tpu.memory_space<vmem>>
          %dma_start3A_261 = tpu.memref_squeeze %dma_start3A_260 : memref<1x128x256xf32, #tpu.memory_space<vmem>> -> memref<128x256xf32, #tpu.memory_space<vmem>>
          tpu.enqueue_dma source(%dma_start3A_261 : memref<128x256xf32, #tpu.memory_space<vmem>>) target(%dma_start3A_257 : memref<128x256xf32, #tpu.memory_space<hbm>>) target_semaphore(%run_scoped3A : memref<!tpu.dma_semaphore, #tpu.memory_space<semaphore_mem>>)
          %dma_wait3A_262 = arith.constant 0 : i32
          %dma_wait3A_263 = arith.constant 0 : i32
          %dma_wait3A_264 = tpu.memref_slice %arg9[%rem3A_219, %dma_wait3A_262, %dma_wait3A_263] : memref<2x128x256xf32, #tpu.memory_space<vmem>> -> memref<1x128x256xf32, #tpu.memory_space<vmem>>
          %dma_wait3A_265 = tpu.memref_squeeze %dma_wait3A_264 : memref<1x128x256xf32, #tpu.memory_space<vmem>> -> memref<128x256xf32, #tpu.memory_space<vmem>>
          %dma_wait3A_266 = arith.constant 0 : i32
          %dma_wait3A_267 = tpu.memref_slice %arg5[%add3A_241, %dma_wait3A_266] : memref<163842x256xf32, #tpu.memory_space<hbm>> -> memref<128x256xf32, #tpu.memory_space<hbm>>
          %dma_wait3A_268 = arith.constant 0 : i32
          %dma_wait3A_269 = tpu.memref_slice %arg5[%add3A_241, %dma_wait3A_268] : memref<163842x256xf32, #tpu.memory_space<hbm>> -> memref<128x256xf32, #tpu.memory_space<hbm>>
          %dma_wait3A_270 = arith.constant 0 : i32
          %dma_wait3A_271 = arith.constant 0 : i32
          %dma_wait3A_272 = tpu.memref_slice %arg9[%rem3A_219, %dma_wait3A_270, %dma_wait3A_271] : memref<2x128x256xf32, #tpu.memory_space<vmem>> -> memref<1x128x256xf32, #tpu.memory_space<vmem>>
          %dma_wait3A_273 = tpu.memref_squeeze %dma_wait3A_272 : memref<1x128x256xf32, #tpu.memory_space<vmem>> -> memref<128x256xf32, #tpu.memory_space<vmem>>
          tpu.wait_dma2 semaphore(%run_scoped3A : memref<!tpu.dma_semaphore, #tpu.memory_space<semaphore_mem>>) src(%dma_wait3A_273 : memref<128x256xf32, #tpu.memory_space<vmem>>) dst(%dma_wait3A_269 : memref<128x256xf32, #tpu.memory_space<hbm>>)
          tpu.yield
        }) : () -> ()
      } else {
      }
      %eq3A = arith.constant 959 : i32
      %eq3A_246 = arith.cmpi eq, %add3A_237, %eq3A : i32
      %convert_element_type3A_247 = arith.extui %eq3A_246 : i1 to i32
      %cond3A_248 = arith.constant 0 : i32
      %cond3A_249 = arith.cmpi ne, %convert_element_type3A_247, %cond3A_248 : i32
      scf.if %cond3A_249 {
        "tpu.region"() ({
          %run_scoped3A = tpu.sem_alloc : memref<!tpu.dma_semaphore, #tpu.memory_space<semaphore_mem>>
          %dma_start3A_250 = arith.constant 0 : i32
          %dma_start3A_251 = arith.constant 0 : i32
          %dma_start3A_252 = tpu.memref_slice %arg9[%rem3A_219, %dma_start3A_250, %dma_start3A_251] : memref<2x128x256xf32, #tpu.memory_space<vmem>> -> memref<1x128x256xf32, #tpu.memory_space<vmem>>
          %dma_start3A_253 = tpu.memref_squeeze %dma_start3A_252 : memref<1x128x256xf32, #tpu.memory_space<vmem>> -> memref<128x256xf32, #tpu.memory_space<vmem>>
          %dma_start3A_254 = arith.constant 0 : i32
          %dma_start3A_255 = arith.constant 0 : i32
          %dma_start3A_256 = tpu.memref_slice %dma_start3A_253[%dma_start3A_254, %dma_start3A_255] : memref<128x256xf32, #tpu.memory_space<vmem>> -> memref<120x256xf32, #tpu.memory_space<vmem>>
          %dma_start3A_257 = arith.constant 0 : i32
          %dma_start3A_258 = tpu.memref_slice %arg5[%add3A_241, %dma_start3A_257] : memref<163842x256xf32, #tpu.memory_space<hbm>> -> memref<120x256xf32, #tpu.memory_space<hbm>>
          %dma_start3A_259 = arith.constant 0 : i32
          %dma_start3A_260 = tpu.memref_slice %arg5[%add3A_241, %dma_start3A_259] : memref<163842x256xf32, #tpu.memory_space<hbm>> -> memref<120x256xf32, #tpu.memory_space<hbm>>
          %dma_start3A_261 = arith.constant 0 : i32
          %dma_start3A_262 = arith.constant 0 : i32
          %dma_start3A_263 = tpu.memref_slice %arg9[%rem3A_219, %dma_start3A_261, %dma_start3A_262] : memref<2x128x256xf32, #tpu.memory_space<vmem>> -> memref<1x128x256xf32, #tpu.memory_space<vmem>>
          %dma_start3A_264 = tpu.memref_squeeze %dma_start3A_263 : memref<1x128x256xf32, #tpu.memory_space<vmem>> -> memref<128x256xf32, #tpu.memory_space<vmem>>
          %dma_start3A_265 = arith.constant 0 : i32
          %dma_start3A_266 = arith.constant 0 : i32
          %dma_start3A_267 = tpu.memref_slice %dma_start3A_264[%dma_start3A_265, %dma_start3A_266] : memref<128x256xf32, #tpu.memory_space<vmem>> -> memref<120x256xf32, #tpu.memory_space<vmem>>
          tpu.enqueue_dma source(%dma_start3A_267 : memref<120x256xf32, #tpu.memory_space<vmem>>) target(%dma_start3A_260 : memref<120x256xf32, #tpu.memory_space<hbm>>) target_semaphore(%run_scoped3A : memref<!tpu.dma_semaphore, #tpu.memory_space<semaphore_mem>>)
          %dma_wait3A_268 = arith.constant 0 : i32
          %dma_wait3A_269 = arith.constant 0 : i32
          %dma_wait3A_270 = tpu.memref_slice %arg9[%rem3A_219, %dma_wait3A_268, %dma_wait3A_269] : memref<2x128x256xf32, #tpu.memory_space<vmem>> -> memref<1x128x256xf32, #tpu.memory_space<vmem>>
          %dma_wait3A_271 = tpu.memref_squeeze %dma_wait3A_270 : memref<1x128x256xf32, #tpu.memory_space<vmem>> -> memref<128x256xf32, #tpu.memory_space<vmem>>
          %dma_wait3A_272 = arith.constant 0 : i32
          %dma_wait3A_273 = arith.constant 0 : i32
          %dma_wait3A_274 = tpu.memref_slice %dma_wait3A_271[%dma_wait3A_272, %dma_wait3A_273] : memref<128x256xf32, #tpu.memory_space<vmem>> -> memref<120x256xf32, #tpu.memory_space<vmem>>
          %dma_wait3A_275 = arith.constant 0 : i32
          %dma_wait3A_276 = tpu.memref_slice %arg5[%add3A_241, %dma_wait3A_275] : memref<163842x256xf32, #tpu.memory_space<hbm>> -> memref<120x256xf32, #tpu.memory_space<hbm>>
          %dma_wait3A_277 = arith.constant 0 : i32
          %dma_wait3A_278 = tpu.memref_slice %arg5[%add3A_241, %dma_wait3A_277] : memref<163842x256xf32, #tpu.memory_space<hbm>> -> memref<120x256xf32, #tpu.memory_space<hbm>>
          %dma_wait3A_279 = arith.constant 0 : i32
          %dma_wait3A_280 = arith.constant 0 : i32
          %dma_wait3A_281 = tpu.memref_slice %arg9[%rem3A_219, %dma_wait3A_279, %dma_wait3A_280] : memref<2x128x256xf32, #tpu.memory_space<vmem>> -> memref<1x128x256xf32, #tpu.memory_space<vmem>>
          %dma_wait3A_282 = tpu.memref_squeeze %dma_wait3A_281 : memref<1x128x256xf32, #tpu.memory_space<vmem>> -> memref<128x256xf32, #tpu.memory_space<vmem>>
          %dma_wait3A_283 = arith.constant 0 : i32
          %dma_wait3A_284 = arith.constant 0 : i32
          %dma_wait3A_285 = tpu.memref_slice %dma_wait3A_282[%dma_wait3A_283, %dma_wait3A_284] : memref<128x256xf32, #tpu.memory_space<vmem>> -> memref<120x256xf32, #tpu.memory_space<vmem>>
          tpu.wait_dma2 semaphore(%run_scoped3A : memref<!tpu.dma_semaphore, #tpu.memory_space<semaphore_mem>>) src(%dma_wait3A_285 : memref<120x256xf32, #tpu.memory_space<vmem>>) dst(%dma_wait3A_278 : memref<120x256xf32, #tpu.memory_space<hbm>>)
          tpu.yield
        }) : () -> ()
      } else {
      }
    }
    %scan3A_199 = arith.constant 30 : i32
    return
  }
}

module attributes {stable_mosaic.version = 14 : i64} {
  func.func @_bfix_body(%arg0: i32, %arg1: memref<8x256xf32, #tpu.memory_space<vmem>>, %arg2: memref<40962x128xf32, #tpu.memory_space<vmem>>, %arg3: memref<16xi32, #tpu.memory_space<smem>>, %arg4: memref<8x256xf32, #tpu.memory_space<vmem>>, %arg5: memref<8x256xf32, #tpu.memory_space<vmem>>) attributes {dimension_semantics = [#tpu.dimension_semantics<arbitrary>], iteration_bounds = array<i64: 2>, scalar_prefetch = 0 : i64, scratch_operands = 0 : i64, tpu.core_type = #tpu.core_type<tc>, window_params = [{transform_indices = @transform_0, window_bounds = array<i64: 8, 256>}, {pipeline_mode = #tpu.pipeline_mode<synchronous>, transform_indices = @transform_1, window_bounds = array<i64: 40962, 128>}, {transform_indices = @transform_2, window_bounds = array<i64: 16>}, {transform_indices = @transform_3, window_bounds = array<i64: 8, 256>}, {transform_indices = @transform_4, window_bounds = array<i64: 8, 256>}]} {
    %get3A = arith.constant 0 : index
    %get3A_0 = arith.constant 0 : index
    %get3A_1 = vector.load %arg1[%get3A, %get3A_0] : memref<8x256xf32, #tpu.memory_space<vmem>>, vector<8x256xf32>
    %get3A_2 = arith.constant 0 : index
    %get3A_3 = memref.load %arg3[%get3A_2] : memref<16xi32, #tpu.memory_space<smem>>
    %get3A_4 = arith.index_cast %get3A_3 : i32 to index
    %get3A_5 = arith.constant 0 : index
    %get3A_6 = vector.load %arg2[%get3A_4, %get3A_5] : memref<40962x128xf32, #tpu.memory_space<vmem>>, vector<1x128xf32>
    %get3A_7 = arith.constant 1 : index
    %get3A_8 = memref.load %arg3[%get3A_7] : memref<16xi32, #tpu.memory_space<smem>>
    %get3A_9 = arith.index_cast %get3A_8 : i32 to index
    %get3A_10 = arith.constant 0 : index
    %get3A_11 = vector.load %arg2[%get3A_9, %get3A_10] : memref<40962x128xf32, #tpu.memory_space<vmem>>, vector<1x128xf32>
    %get3A_12 = arith.constant 2 : index
    %get3A_13 = memref.load %arg3[%get3A_12] : memref<16xi32, #tpu.memory_space<smem>>
    %get3A_14 = arith.index_cast %get3A_13 : i32 to index
    %get3A_15 = arith.constant 0 : index
    %get3A_16 = vector.load %arg2[%get3A_14, %get3A_15] : memref<40962x128xf32, #tpu.memory_space<vmem>>, vector<1x128xf32>
    %get3A_17 = arith.constant 3 : index
    %get3A_18 = memref.load %arg3[%get3A_17] : memref<16xi32, #tpu.memory_space<smem>>
    %get3A_19 = arith.index_cast %get3A_18 : i32 to index
    %get3A_20 = arith.constant 0 : index
    %get3A_21 = vector.load %arg2[%get3A_19, %get3A_20] : memref<40962x128xf32, #tpu.memory_space<vmem>>, vector<1x128xf32>
    %get3A_22 = arith.constant 4 : index
    %get3A_23 = memref.load %arg3[%get3A_22] : memref<16xi32, #tpu.memory_space<smem>>
    %get3A_24 = arith.index_cast %get3A_23 : i32 to index
    %get3A_25 = arith.constant 0 : index
    %get3A_26 = vector.load %arg2[%get3A_24, %get3A_25] : memref<40962x128xf32, #tpu.memory_space<vmem>>, vector<1x128xf32>
    %get3A_27 = arith.constant 5 : index
    %get3A_28 = memref.load %arg3[%get3A_27] : memref<16xi32, #tpu.memory_space<smem>>
    %get3A_29 = arith.index_cast %get3A_28 : i32 to index
    %get3A_30 = arith.constant 0 : index
    %get3A_31 = vector.load %arg2[%get3A_29, %get3A_30] : memref<40962x128xf32, #tpu.memory_space<vmem>>, vector<1x128xf32>
    %get3A_32 = arith.constant 6 : index
    %get3A_33 = memref.load %arg3[%get3A_32] : memref<16xi32, #tpu.memory_space<smem>>
    %get3A_34 = arith.index_cast %get3A_33 : i32 to index
    %get3A_35 = arith.constant 0 : index
    %get3A_36 = vector.load %arg2[%get3A_34, %get3A_35] : memref<40962x128xf32, #tpu.memory_space<vmem>>, vector<1x128xf32>
    %get3A_37 = arith.constant 7 : index
    %get3A_38 = memref.load %arg3[%get3A_37] : memref<16xi32, #tpu.memory_space<smem>>
    %get3A_39 = arith.index_cast %get3A_38 : i32 to index
    %get3A_40 = arith.constant 0 : index
    %get3A_41 = vector.load %arg2[%get3A_39, %get3A_40] : memref<40962x128xf32, #tpu.memory_space<vmem>>, vector<1x128xf32>
    %get3A_42 = arith.constant 8 : index
    %get3A_43 = memref.load %arg3[%get3A_42] : memref<16xi32, #tpu.memory_space<smem>>
    %get3A_44 = arith.index_cast %get3A_43 : i32 to index
    %get3A_45 = arith.constant 0 : index
    %get3A_46 = vector.load %arg2[%get3A_44, %get3A_45] : memref<40962x128xf32, #tpu.memory_space<vmem>>, vector<1x128xf32>
    %get3A_47 = arith.constant 9 : index
    %get3A_48 = memref.load %arg3[%get3A_47] : memref<16xi32, #tpu.memory_space<smem>>
    %get3A_49 = arith.index_cast %get3A_48 : i32 to index
    %get3A_50 = arith.constant 0 : index
    %get3A_51 = vector.load %arg2[%get3A_49, %get3A_50] : memref<40962x128xf32, #tpu.memory_space<vmem>>, vector<1x128xf32>
    %get3A_52 = arith.constant 10 : index
    %get3A_53 = memref.load %arg3[%get3A_52] : memref<16xi32, #tpu.memory_space<smem>>
    %get3A_54 = arith.index_cast %get3A_53 : i32 to index
    %get3A_55 = arith.constant 0 : index
    %get3A_56 = vector.load %arg2[%get3A_54, %get3A_55] : memref<40962x128xf32, #tpu.memory_space<vmem>>, vector<1x128xf32>
    %get3A_57 = arith.constant 11 : index
    %get3A_58 = memref.load %arg3[%get3A_57] : memref<16xi32, #tpu.memory_space<smem>>
    %get3A_59 = arith.index_cast %get3A_58 : i32 to index
    %get3A_60 = arith.constant 0 : index
    %get3A_61 = vector.load %arg2[%get3A_59, %get3A_60] : memref<40962x128xf32, #tpu.memory_space<vmem>>, vector<1x128xf32>
    %get3A_62 = arith.constant 12 : index
    %get3A_63 = memref.load %arg3[%get3A_62] : memref<16xi32, #tpu.memory_space<smem>>
    %get3A_64 = arith.index_cast %get3A_63 : i32 to index
    %get3A_65 = arith.constant 0 : index
    %get3A_66 = vector.load %arg2[%get3A_64, %get3A_65] : memref<40962x128xf32, #tpu.memory_space<vmem>>, vector<1x128xf32>
    %get3A_67 = arith.constant 13 : index
    %get3A_68 = memref.load %arg3[%get3A_67] : memref<16xi32, #tpu.memory_space<smem>>
    %get3A_69 = arith.index_cast %get3A_68 : i32 to index
    %get3A_70 = arith.constant 0 : index
    %get3A_71 = vector.load %arg2[%get3A_69, %get3A_70] : memref<40962x128xf32, #tpu.memory_space<vmem>>, vector<1x128xf32>
    %get3A_72 = arith.constant 14 : index
    %get3A_73 = memref.load %arg3[%get3A_72] : memref<16xi32, #tpu.memory_space<smem>>
    %get3A_74 = arith.index_cast %get3A_73 : i32 to index
    %get3A_75 = arith.constant 0 : index
    %get3A_76 = vector.load %arg2[%get3A_74, %get3A_75] : memref<40962x128xf32, #tpu.memory_space<vmem>>, vector<1x128xf32>
    %get3A_77 = arith.constant 15 : index
    %get3A_78 = memref.load %arg3[%get3A_77] : memref<16xi32, #tpu.memory_space<smem>>
    %get3A_79 = arith.index_cast %get3A_78 : i32 to index
    %get3A_80 = arith.constant 0 : index
    %get3A_81 = vector.load %arg2[%get3A_79, %get3A_80] : memref<40962x128xf32, #tpu.memory_space<vmem>>, vector<1x128xf32>
    %concatenate3A = tpu.concatenate %get3A_6, %get3A_11, %get3A_16, %get3A_21, %get3A_26, %get3A_31, %get3A_36, %get3A_41, %get3A_46, %get3A_51, %get3A_56, %get3A_61, %get3A_66, %get3A_71, %get3A_76, %get3A_81 in 0 : vector<1x128xf32>, vector<1x128xf32>, vector<1x128xf32>, vector<1x128xf32>, vector<1x128xf32>, vector<1x128xf32>, vector<1x128xf32>, vector<1x128xf32>, vector<1x128xf32>, vector<1x128xf32>, vector<1x128xf32>, vector<1x128xf32>, vector<1x128xf32>, vector<1x128xf32>, vector<1x128xf32>, vector<1x128xf32> -> vector<16x128xf32>
    %slice3A = vector.extract_strided_slice %concatenate3A {offsets = [0, 0], sizes = [12, 128], strides = [1, 1]} : vector<16x128xf32> to vector<12x128xf32>
    %reshape3A = vector.shape_cast %slice3A : vector<12x128xf32> to vector<6x256xf32>
    %slice3A_82 = vector.extract_strided_slice %concatenate3A {offsets = [12, 0], sizes = [4, 128], strides = [1, 1]} : vector<16x128xf32> to vector<4x128xf32>
    %reshape3A_83 = vector.shape_cast %slice3A_82 : vector<4x128xf32> to vector<2x256xf32>
    %slice3A_84 = vector.extract_strided_slice %get3A_1 {offsets = [0, 0], sizes = [2, 256], strides = [1, 1]} : vector<8x256xf32> to vector<2x256xf32>
    %concatenate3A_85 = tpu.concatenate %slice3A_84, %reshape3A in 0 : vector<2x256xf32>, vector<6x256xf32> -> vector<8x256xf32>
    %broadcast_in_dim3A = arith.constant 0.000000e+00 : f32
    %broadcast_in_dim3A_86 = vector.broadcast %broadcast_in_dim3A : f32 to vector<6x256xf32>
    %concatenate3A_87 = tpu.concatenate %reshape3A_83, %broadcast_in_dim3A_86 in 0 : vector<2x256xf32>, vector<6x256xf32> -> vector<8x256xf32>
    %eq3A = arith.constant 0 : i32
    %eq3A_88 = arith.cmpi eq, %arg0, %eq3A : i32
    %select_n3A = arith.select %eq3A_88, %concatenate3A_85, %concatenate3A_87 : vector<8x256xf32>
    %swap3A = arith.constant 0 : index
    %swap3A_89 = arith.constant 0 : index
    %swap3A_90 = vector.load %arg5[%swap3A, %swap3A_89] : memref<8x256xf32, #tpu.memory_space<vmem>>, vector<8x256xf32>
    tpu.vector_store %arg5[%swap3A, %swap3A_89], %select_n3A {strides = array<i32>} : memref<8x256xf32, #tpu.memory_space<vmem>>, vector<8x256xf32>,
    return
  }
  func.func @transform_0(%arg0: i32) -> (i32, i32) {
    %c5120_i32 = arith.constant 5120 : i32
    %c0_i32 = arith.constant 0 : i32
    %c0_i32_0 = arith.constant 0 : i32
    return %c5120_i32, %c0_i32 : i32, i32
  }
  func.func @transform_1(%arg0: i32) -> (i32, i32) {
    %c0_i32 = arith.constant 0 : i32
    %c0_i32_0 = arith.constant 0 : i32
    %c0_i32_1 = arith.constant 0 : i32
    return %c0_i32, %c0_i32_0 : i32, i32
  }
  func.func @transform_2(%arg0: i32) -> i32 {
    %c0_i32 = arith.constant 0 : i32
    %c0_i32_0 = arith.constant 0 : i32
    return %c0_i32 : i32
  }
  func.func @transform_3(%arg0: i32) -> (i32, i32) {
    %eq3A = arith.constant 0 : i32
    %eq3A_0 = arith.cmpi eq, %arg0, %eq3A : i32
    %select_n3A = arith.constant 20480 : i32
    %select_n3A_1 = arith.constant 5120 : i32
    %select_n3A_2 = arith.select %eq3A_0, %select_n3A_1, %select_n3A : i32
    %c0_i32 = arith.constant 0 : i32
    %c0_i32_3 = arith.constant 0 : i32
    return %select_n3A_2, %c0_i32 : i32, i32
  }
  func.func @transform_4(%arg0: i32) -> (i32, i32) {
    %eq3A = arith.constant 0 : i32
    %eq3A_0 = arith.cmpi eq, %arg0, %eq3A : i32
    %select_n3A = arith.constant 20480 : i32
    %select_n3A_1 = arith.constant 5120 : i32
    %select_n3A_2 = arith.select %eq3A_0, %select_n3A_1, %select_n3A : i32
    %c0_i32 = arith.constant 0 : i32
    %c0_i32_3 = arith.constant 0 : i32
    return %select_n3A_2, %c0_i32 : i32, i32
  }
}

module attributes {stable_mosaic.version = 14 : i64} {
  func.func @_pairmean_body(%arg0: i32, %arg1: memref<4096x256xf32, #tpu.memory_space<vmem>>, %arg2: memref<256x128xf32, #tpu.memory_space<vmem>>, %arg3: memref<4096x128xf32, #tpu.memory_space<vmem>>) attributes {dimension_semantics = [#tpu.dimension_semantics<arbitrary>], iteration_bounds = array<i64: 11>, scalar_prefetch = 0 : i64, scratch_operands = 0 : i64, tpu.core_type = #tpu.core_type<tc>, window_params = [{transform_indices = @transform_0, window_bounds = array<i64: 4096, 256>}, {pipeline_mode = #tpu.pipeline_mode<synchronous>, transform_indices = @transform_1, window_bounds = array<i64: 256, 128>}, {transform_indices = @transform_2, window_bounds = array<i64: 4096, 128>}]} {
    %get3A = arith.constant 0 : index
    %get3A_0 = arith.constant 0 : index
    %get3A_1 = vector.load %arg1[%get3A, %get3A_0] : memref<4096x256xf32, #tpu.memory_space<vmem>>, vector<4096x256xf32>
    %get3A_2 = arith.constant 0 : index
    %get3A_3 = arith.constant 0 : index
    %get3A_4 = vector.load %arg2[%get3A_2, %get3A_3] : memref<256x128xf32, #tpu.memory_space<vmem>>, vector<256x128xf32>
    %dot_general3A = arith.constant dense<0.000000e+00> : vector<4096x128xf32>
    %dot_general3A_5 = tpu.matmul %get3A_1, %get3A_4, %dot_general3A {dimension_numbers = #tpu.dot_dimension_numbers<[1], [0], [0], [1], [0, 0, 1, 1], [], []>, transpose_lhs_hint = false} : vector<4096x256xf32>, vector<256x128xf32>, vector<4096x128xf32> -> vector<4096x128xf32>
    %swap3A = arith.constant 0 : index
    %swap3A_6 = arith.constant 0 : index
    %swap3A_7 = vector.load %arg3[%swap3A, %swap3A_6] : memref<4096x128xf32, #tpu.memory_space<vmem>>, vector<4096x128xf32>
    tpu.vector_store %arg3[%swap3A, %swap3A_6], %dot_general3A_5 {strides = array<i32>} : memref<4096x128xf32, #tpu.memory_space<vmem>>, vector<4096x128xf32>,
    return
  }
  func.func @transform_0(%arg0: i32) -> (i32, i32) {
    %c0_i32 = arith.constant 0 : i32
    %c0_i32_0 = arith.constant 0 : i32
    return %arg0, %c0_i32 : i32, i32
  }
  func.func @transform_1(%arg0: i32) -> (i32, i32) {
    %c0_i32 = arith.constant 0 : i32
    %c0_i32_0 = arith.constant 0 : i32
    %c0_i32_1 = arith.constant 0 : i32
    return %c0_i32, %c0_i32_0 : i32, i32
  }
  func.func @transform_2(%arg0: i32) -> (i32, i32) {
    %c0_i32 = arith.constant 0 : i32
    %c0_i32_0 = arith.constant 0 : i32
    return %arg0, %c0_i32 : i32, i32
  }
}

</mosaic_0001>

<sc_bundles>
// kernel: kernel.5.cloned.1.call-start
scs
__scs_entry_jumppad:
0x0: {  	(pc) =	sbr.rel $0x88, $3  }
0x1: {  	(tag) =	ssettag $0x0;
	lr =	simm.s32 $0x1  }
0x2: {  	[smem:$0x3F9F] =	sst lr;
	_ =	strace $0xD0000000  }
0x3: {  	_ = 	snop  }
0x4: {  	_ = 	snop  }
0x5: {  	_ = 	snop  }
0x6: {  	_ = 	snop  }
0x7: {  	_ = 	snop  }
__scs_overlays_trampoline_lowered:
0x8: {  	[smem:$0x3FAE] =	sst s0  }
0x9: {  	[smem:$0x3FAF] =	sst s1  }
0xa: {  	[smem:$0x3FB0] =	sst s2  }
0xb: {  	[smem:$0x3FB1] =	sst s3  }
0xc: {  	[smem:$0x3FB2] =	sst s4  }
0xd: {  	[smem:$0x3FB3] =	sst s5  }
0xe: {  	[smem:$0x3FB4] =	sst s6  }
0xf: {  	[smem:$0x3FB5] =	sst s7  }
0x10: {  	[smem:$0x3FB6] =	sst s8  }
0x11: {  	[smem:$0x3FB7] =	sst s9;
	s0 =	simm.s32 @!p0 $0x0  }
0x12: {  	s1 =	sld [smem:$0x3F9D];
	s0 =	simm.s32 @p0 $0x1  }
0x13: {  	[smem:$0x3FB8] =	sst s0;
	s0 =	simm.s32 @!p1 $0x0  }
0x14: {  	s2 =	sld [smem:$0x3F9C];
	s0 =	simm.s32 @p1 $0x1  }
0x15: {  	[smem:$0x3FB9] =	sst s0;
	s0 =	simm.s32 @!p2 $0x0  }
0x16: {  	s3 =	sld [smem:$0x3FDB];
	s0 =	simm.s32 @p2 $0x1  }
0x17: {  	s4 =	simm.s32 $0x1BF5;
	[smem:$0x3FBB] =	sst s0  }
0x18: {  	s0 =	sld [smem:$0x3F9E];
	_ =	swait.ge [sflag:s4], $0x0  }
0x19: {  	s7 =	sld [smem:$0x3F9F]  }
0x1a: {  	s8 =	sadd.s32 $0xFFFFE003, lr  }
0x1b: {  	s9 =	sadd.s32 $0xFFFFFEF7, lr;
	s5 =	simm.s32 $0xFFFFFFFF;
	p2 =	slt.u32 s8, $0xFFFFF086  }
0x1c: {  	p1 =	slt.u32 s9, $0xF7A;
	s5 =	simm.s32 @!p2 $0x0  }
0x1d: {  	s5 =	simm.s32 @p1 $0x1;
	p0 =	seq.s32 s7, s2  }
0x1e: {  	s7 =	smul.u32 @!p0 $0xF7A, s2;
	p2 =	seq.s32 @!p0 s5, $0x0  }
0x1f: {  	s9 =	smul.u32 $0xF7A, s1;
	s8 =	simm.s32 @!p0 $0x1BF5;
	p2 =	por !p2, p0  }
0x20: {  	[sflag:s8] =	ssyncset.s32 @!p0 $0xFFFFF086;
	s6 =	sadd.s32 @!p0 s3, s7;
	s7 =	simm.s32 @!p0 $0x108  }
0x21: {  	s3 =	sadd.s32 s3, s9;
	s6 =	sadd.s32 @!p0 $0x88, s6;
	s7 =	simm.s32 @p2 $0x1082  }
0x22: {  	[simem:s7], [sflag:s8] =	dma.local @!p0 [hbm:s6], $0xF7A  }
0x23: {  	s9 =	sor.u32 $0xD0000000, s2;
	s6 =	simm.s32 $0x108;
	_ =	swait.ge @!p0 [sflag:s8], $0x0  }
0x24: {  	s3 =	sadd.s32 $0x88, s3;
	s6 =	simm.s32 @!p1 $0x1082;
	[sflag:s4] =	ssyncset.s32 $0xFFFFF086  }
0x25: {  	[simem:s6], [sflag:s4] =	dma.local [hbm:s3], $0xF7A  }
0x26: {  	[smem:$0x3F9F] =	sst s1;
	(tag) =	ssettag s2;
	_ =	strace s9  }
0x27: {  	s1 =	sld [smem:$0x3FAF]  }
0x28: {  	s2 =	sld [smem:$0x3FB0]  }
0x29: {  	s4 =	sld [smem:$0x3FB2]  }
0x2a: {  	p0 =	seq.s32 s5, $0x0;
	s5 =	sld [smem:$0x3FB3]  }
0x2b: {  	s6 =	sld [smem:$0x3FB4]  }
0x2c: {  	s7 =	sld [smem:$0x3FB5]  }
0x2d: {  	s3 =	simm.s32 $0x108;
	s8 =	sld [smem:$0x3FB6]  }
0x2e: {  	s3 =	simm.s32 @!p0 $0x1082;
	s9 =	sld [smem:$0x3FB7]  }
0x2f: {  	lr =	sadd.s32 s0, s3;
	s0 =	sld [smem:$0x3FAE]  }
0x30: {  	s3 =	sld [smem:$0x3FB1]  }
0x31: {  	[smem:$0x3FBA] =	sst s10  }
0x32: {  	s10 =	sld [smem:$0x3FB8];
	_ =	sdelay $0x3  }
0x33: {  	p0 =	seq.s32 s10, $0x1;
	s10 =	sld [smem:$0x3FBA];
	_ =	sdelay $0x3  }
0x34: {  	[smem:$0x3FBA] =	sst s10  }
0x35: {  	s10 =	sld [smem:$0x3FB9];
	_ =	sdelay $0x3  }
0x36: {  	p1 =	seq.s32 s10, $0x1;
	s10 =	sld [smem:$0x3FBA];
	_ =	sdelay $0x3  }
0x37: {  	[smem:$0x3FBA] =	sst s10  }
0x38: {  	s10 =	sld [smem:$0x3FBB]  }
0x39: {  	_ = 	snop;
	(pc) =	sbr.ind lr, $3  }
0x3a: {  	_ = 	snop  }
0x3b: {  	_ = 	snop  }
0x3c: {  	p2 =	seq.s32 s10, $0x1;
	s10 =	sld [smem:$0x3FBA]  }
0x3d: {  	_ =	shalt  }
0x3e: {  	_ =	shalt  }
0x3f: {  	_ =	shalt  }
0x40: {  	_ =	shalt  }
0x41: {  	_ =	shalt  }
0x42: {  	_ =	shalt  }
0x43: {  	_ =	shalt  }
0x44: {  	_ =	shalt  }
0x45: {  	_ =	shalt  }
0x46: {  	_ =	shalt  }
0x47: {  	_ =	shalt  }
0x48: {  	_ =	shalt  }
0x49: {  	_ =	shalt  }
0x4a: {  	_ =	shalt  }
0x4b: {  	_ =	shalt  }
0x4c: {  	_ =	shalt  }
0x4d: {  	_ =	shalt  }
0x4e: {  	_ =	shalt  }
0x4f: {  	_ =	shalt  }
0x50: {  	_ =	shalt  }
0x51: {  	_ =	shalt  }
0x52: {  	_ =	shalt  }
0x53: {  	_ =	shalt  }
0x54: {  	_ =	shalt  }
0x55: {  	_ =	shalt  }
0x56: {  	_ =	shalt  }
0x57: {  	_ =	shalt  }
0x58: {  	_ =	shalt  }
0x59: {  	_ =	shalt  }
0x5a: {  	_ =	shalt  }
0x5b: {  	_ =	shalt  }
0x5c: {  	_ =	shalt  }
0x5d: {  	_ =	shalt  }
0x5e: {  	_ =	shalt  }
0x5f: {  	_ =	shalt  }
0x60: {  	_ =	shalt  }
0x61: {  	_ =	shalt  }
0x62: {  	_ =	shalt  }
0x63: {  	_ =	shalt  }
0x64: {  	_ =	shalt  }
0x65: {  	_ =	shalt  }
0x66: {  	_ =	shalt  }
0x67: {  	_ =	shalt  }
0x68: {  	_ =	shalt  }
0x69: {  	_ =	shalt  }
0x6a: {  	_ =	shalt  }
0x6b: {  	_ =	shalt  }
0x6c: {  	_ =	shalt  }
0x6d: {  	_ =	shalt  }
0x6e: {  	_ =	shalt  }
0x6f: {  	_ =	shalt  }
0x70: {  	_ =	shalt  }
0x71: {  	_ =	shalt  }
0x72: {  	_ =	shalt  }
0x73: {  	_ =	shalt  }
0x74: {  	_ =	shalt  }
0x75: {  	_ =	shalt  }
0x76: {  	_ =	shalt  }
0x77: {  	_ =	shalt  }
0x78: {  	_ =	shalt  }
0x79: {  	_ =	shalt  }
0x7a: {  	_ =	shalt  }
0x7b: {  	_ =	shalt  }
0x7c: {  	_ =	shalt  }
0x7d: {  	_ =	shalt  }
0x7e: {  	_ =	shalt  }
0x7f: {  	_ =	shalt  }
0x80: {  	_ =	shalt  }
0x81: {  	_ =	shalt  }
0x82: {  	_ =	shalt  }
0x83: {  	_ =	shalt  }
0x84: {  	_ =	shalt  }
0x85: {  	_ =	shalt  }
0x86: {  	_ =	shalt  }
0x87: {  	_ =	shalt  }
.Lfunc_end0:
.L_simem_size_0:
called_computation_lowered:
.L_overlay_start_0:
0x88: {  	s2 =	sld [smem:$0x3FD9]  }
0x89: {  	s3 =	sld [smem:$0x3FFE];
	_ =	sdelay $0x1  }
0x8a: {  	s1 =	srdreg.scid  }
0x8b: {  	s0 =	sand.u32 $0x1, s1  }
0x8c: {  	s17 =	sshll.u32 s0, $0xA;
	s2 =	sadd.s32 s3, s2  }
0x8d: {  	s2 =	sadd.s32 s2, s17  }
0x8e: {  	[smem:$0x3FC6] =	sst s2  }
0x8f: {  	_ = 	snop  }
0x90: {  	s2 =	sld [smem:$0x3FC9]  }
0x91: {  	s18 =	sld [smem:$0x3FD0];
	(tm) =	ssettm $0x1  }
0x92: {  	s4 =	sld [smem:$0x3FFB];
	_ =	sdelay $0x3  }
0x93: {  	_ =	strace s4  }
0x94: {  	s4 =	sld [smem:$0x3FFC];
	_ =	sdelay $0x3  }
0x95: {  	_ =	strace s4  }
0x96: {  	s4 =	sld [smem:$0x3FFD];
	_ =	sdelay $0x3  }
0x97: {  	_ =	strace s4  }
0x98: {  	_ =	strace $0x8FFFFFFF  }
0x99: {  	s19 =	sld [smem:$0x3FDB];
	_ =	sdelay $0x1  }
0x9a: {  	s5 =	simm.s32 $_scs_section_size  }
0x9b: {  	s6 =	simm.s32 $_size__tile_overlayer_lowered;
	s7 =	simm.s32 $_tile_overlayer_lowered  }
0x9c: {  	s22 =	simm.s32 $0x1BFF;
	s21 =	sshll.u32 s7, $0x1;
	s4 =	sadd.s32 s5, s19  }
0x9d: {  	s8 =	simm.s32 $0x0;
	s20 =	sshll.u32 s6, $0x1;
	s6 =	sadd.s32 s21, s4  }
0x9e: {  	[timem:s8], [sflag:s22] =	dma.local [hbm:s6], s20  }
0x9f: {  	_ =	swait.ge [sflag:s22], s20  }
0xa0: {  	s5 =	ssub.s32 $0x0, s20;
	[sflag:s22] =	ssyncset.done $0x0  }
0xa1: {  	[sflag:s22] =	ssyncadd.s32 s5;
	_ =	sdelay $0x1  }
0xa2: {  	s23 =	simm.s32 $0x1B8B  }
0xa3: {  	_ =	swait.ge [sflag:s23], $0x1  }
0xa4: {  	[sflag:s23] =	ssyncset.done $0x0  }
0xa5: {  	s25 =	simm.s32 $0x1B8E;
	s24 =	sld [smem:$0x3FFE];
	[sflag:s23] =	ssyncadd.s32 $0xFFFFFFFF  }
0xa6: {  	s26 =	simm.s32 $execute0_lowered;
	[smem:$0x3FD2] =	sst s25  }
0xa7: {  	s6 =	sshll.u32 s26, $0x1;
	_ =	strace $0x80000046;
	[dreg:$0x1] =	wrdreg $0xFFFFFFFF  }
0xa8: {  	s28 =	simm.s32 $_size_execute0_lowered;
	s4 =	sadd.s32 s4, s6;
	[dreg:$0x0] =	wrdreg $0x0  }
0xa9: {  	s6 =	sshll.u32 s28, $0x1;
	[dreg:$0x2] =	wrdreg s4  }
0xaa: {  	[dreg:$0x3] =	wrdreg s6  }
0xab: {  	[dreg:$0x4] =	wrdreg $0xC0  }
0xac: {  	_ =	task [dreg:s8], $0x5FFFF  }
0xad: {  	[dreg:$0x1] =	wrdreg $0xFFFFFFFF  }
0xae: {  	[dreg:$0x0] =	wrdreg $0x60  }
0xaf: {  	[dreg:$0x2] =	wrdreg s2  }
0xb0: {  	[dreg:$0x3] =	wrdreg s24  }
0xb1: {  	[dreg:$0x4] =	wrdreg s18  }
0xb2: {  	[dreg:$0x5] =	wrdreg $0x9  }
0xb3: {  	_ =	task.clear_ibuf [dreg:s8], $0x6FFFF;
	_ =	strace $0x90000046  }
0xb4: {  	s29 =	simm.s32 $0x9;
	_ =	strace $0x80000048  }
0xb5: {  	_ =	swait.ge [sflag:s29], $0x1  }
0xb6: {  	[sflag:s29] =	ssyncadd.s32 $0xFFFFFFFF  }
0xb7: {  	_ =	strace $0x90000048  }
0xb8: {  	_ =	sfence  }
0xb9: {  	s30 =	sld [smem:$0x0];
	_ =	sdelay $0x2  }
0xba: {  	s31 =	sshll.u32 s1, $0xD;
	s1 =	sshrl.u32 s1, $0x2  }
0xbb: {  	s3 =	sand.u32 $0x4000, s31;
	s1 =	sadd.s32 s1, s30  }
0xbc: {  	s0 =	sor.u32 s3, s0;
	s1 =	sshll.u32 s1, $0x11  }
0xbd: {  	s0 =	sor.u32 s1, s0  }
0xbe: {  	s0 =	sadd.s32 $0x8F2B, s0  }
0xbf: {  	[sflag:s0] =	ssyncadd.remote.s32 $0x1  }
0xc0: {  	_ =	sfence.sel $0xFFFF  }
0xc1: {  	[dreg:$0x0] =	wrdreg $0xFFFFFFFF;
	(pc) =	sbr.abs _section_cstart, $3  }
0xc2: {  	[dreg:$0x1] =	wrdreg $0xFFFFFFFF  }
0xc3: {  	_ =	task.clear_ibuf [dreg:s8], $0x2FFFF;
	_ =	strace $0x9FFFFFFF  }
0xc4: {  	(tm) =	ssettm $0x7FFFFFFF  }
0xc5: {  	_ =	shalt  }
tec
execute0_lowered:
.L_overlay_start_1:
0x0: {  	(tag) =	ssettag $0x1  }
0x1: {  	s0 =	rddreg [dreg:$0x0]  }
0x2: {  	s1 =	srdreg.scid;
	s13 =	stileid.u32  }
0x3: {  	s4 =	rddreg [dreg:$0x1];
	s9 =	smul.u32 $0xA0000, s13  }
0x4: {  	s8 =	rddreg [dreg:$0x2];
	s19 =	simm.s32 $0x7480;
	s24 =	smul.u32 $0x3C000, s13  }
0x5: {  	s1 =	sand.u32 $0x1, s1;
	s2 =	sshll.u32 s13, $0x1;
	s13 =	smul.u32 $0x3C00, s13  }
0x6: {  	s20 =	simm.s32 $0x7C80;
	s21 =	simm.s32 $0x8480;
	s11 =	smul.u32 $0x50000, s1  }
0x7: {  	s22 =	simm.s32 $0x8C80;
	s23 =	simm.s32 $0x9480;
	s12 =	smul.u32 $0x1E000, s1  }
0x8: {  	s28 =	simm.s32 $0x0;
	s3 =	sor.u32 s1, s2;
	s25 =	smul.u32 $0x1E00, s1  }
0x9: {  	s2 =	simm.s32 $0x0;
	s7 =	ssub.s32 $0x2, s1;
	s5 =	smul.u32 $0x3C0, s3  }
0xa: {  	v19 =	vlaneseq.u32;
	[smem:$0x7FF] =	sst s2;
	s6 =	smul.u32 $0xA000, s3;
	s10 =	sshrl.u32 s7, $0x1  }
0xb: {  	vm0 =	vmmov $0xff;
	v0 =	vmul.u32 $0x2, v19;
	s3 =	sadd.s32 $0x8A00, s4;
	_ =	strace $0x80000047;
	s7 =	ssub.s32 s7, s10  }
0xc: {  	v18 =	vshrl.u32 v19, $0x3;
	v17 =	vand.u32 $0x7, v19;
	v19 =	vor.u32 $0x8, v19;
	s9 =	sadd.s32 s11, s9;
	s29 =	sadd.s32 s25, s13;
	s25 =	simm.s32 $0x12080  }
0xd: {  	v18 =	vmul.u32 $0x8, v18;
	v1 =	vadd.s32 $0xC, v0;
	v2 =	vadd.s32 $0xD, v0;
	s4 =	sadd.s32 s5, s4;
	s5 =	sadd.s32 s0, s6;
	s6 =	sadd.s32 $0x4FF100, s8  }
.Ltmp0:
0xe: {  	v3 =	vadd.s32 $0x2C, v0;
	v4 =	vadd.s32 $0x2D, v0;
	v5 =	vadd.s32 $0x4C, v0;
	s7 =	smax.u32 s7, $0x1;
	s26 =	sshrl.u32 s9, $0x3;
	(pc) =	sbr.rel .LBB2_1-.Ltmp0, $4  }
0xf: {  	v6 =	vadd.s32 $0x4D, v0;
	v7 =	vadd.s32 $0x6C, v0;
	v8 =	vadd.s32 $0x6D, v0;
	s9 =	sor.u32 $0x4000, s9;
	s10 =	sadd.s32 $0xFFFC4100, s29;
	s4 =	sadd.s32 $0x1000, s4  }
0x10: {  	v9 =	vadd.s32 $0x8C, v0;
	v10 =	vadd.s32 $0x8D, v0;
	v11 =	vadd.s32 $0xAC, v0;
	s1 =	sadd.s32 s26, s8;
	s8 =	sadd.s32 s24, s8;
	s9 =	sshrl.u32 s9, $0x3  }
0x11: {  	v12 =	vadd.s32 $0xAD, v0;
	v13 =	vadd.s32 $0xCC, v0;
	v14 =	vadd.s32 $0xCD, v0;
	s24 =	simm.s32 $0x9C80;
	s26 =	simm.s32 $0x6;
	s8 =	sadd.s32 s12, s8  }
0x12: {  	v15 =	vadd.s32 $0xEC, v0;
	v16 =	vadd.s32 $0xED, v0;
	v20 =	vor.u32 $0x1, v0;
	s30 =	sadd.s32 s9, s0;
	s12 =	simm.s32 $0x5;
	s31 =	sadd.s32 $0x140100, s8  }
.LBB2_8:
0x13: {  	s28 =	sadd.s32 $0x1, s28  }
0x14: {  	p0 =	sne.s32 s28, s7  }
.Ltmp1:
0x15: {  	_ = 	snop;
	(pc) =	sbr.rel @!p0 .LBB2_9-.Ltmp1, $1  }
0x16: {  	_ =	sdelay $0x3  }
.LBB2_1:
0x17: {  	[tilespmem:s2], [sflag:$0x5] =	stream.linear.gather [hbm4b:s4+s2], $0x1E80, $0x38;
	[tilespmem:$0x1A080] =	vst v63  }
0x18: {  	_ =	swait.ge [sflag:s12], $0x1E80  }
0x19: {  	[sflag:s12] =	ssyncset.done $0x0  }
0x1a: {  	[sflag:s12] =	ssyncadd.s32 $0xFFFFE180  }
0x1b: {  	v21 =	vld.idx.msk [tilespmem:v1+s2+$0x0], $0xffff;
	_ =	sdelay $0x4  }
0x1c: {  	[tilespmem:$0x1E80] =	vst v21  }
0x1d: {  	v21 =	vld.idx.msk [tilespmem:v2+s2+$0x0], $0xffff;
	_ =	sdelay $0x4  }
0x1e: {  	[tilespmem:$0x1F80] =	vst v21  }
0x1f: {  	v21 =	vld.idx.msk [tilespmem:v3+s2+$0x0], $0xffff;
	_ =	sdelay $0x4  }
0x20: {  	[tilespmem:$0x1E90] =	vst v21  }
0x21: {  	v21 =	vld.idx.msk [tilespmem:v4+s2+$0x0], $0xffff;
	_ =	sdelay $0x4  }
0x22: {  	[tilespmem:$0x1F90] =	vst v21  }
0x23: {  	v21 =	vld.idx.msk [tilespmem:v5+s2+$0x0], $0xffff;
	_ =	sdelay $0x4  }
0x24: {  	[tilespmem:$0x1EA0] =	vst v21  }
0x25: {  	v21 =	vld.idx.msk [tilespmem:v6+s2+$0x0], $0xffff;
	_ =	sdelay $0x4  }
0x26: {  	[tilespmem:$0x1FA0] =	vst v21  }
0x27: {  	v21 =	vld.idx.msk [tilespmem:v7+s2+$0x0], $0xffff;
	_ =	sdelay $0x4  }
0x28: {  	[tilespmem:$0x1EB0] =	vst v21  }
0x29: {  	v21 =	vld.idx.msk [tilespmem:v8+s2+$0x0], $0xffff;
	_ =	sdelay $0x4  }
0x2a: {  	[tilespmem:$0x1FB0] =	vst v21  }
0x2b: {  	v21 =	vld.idx.msk [tilespmem:v9+s2+$0x0], $0xffff;
	_ =	sdelay $0x4  }
0x2c: {  	[tilespmem:$0x1EC0] =	vst v21  }
0x2d: {  	v21 =	vld.idx.msk [tilespmem:v10+s2+$0x0], $0xffff;
	_ =	sdelay $0x4  }
0x2e: {  	[tilespmem:$0x1FC0] =	vst v21  }
0x2f: {  	v21 =	vld.idx.msk [tilespmem:v11+s2+$0x0], $0xffff;
	_ =	sdelay $0x4  }
0x30: {  	[tilespmem:$0x1ED0] =	vst v21  }
0x31: {  	v21 =	vld.idx.msk [tilespmem:v12+s2+$0x0], $0xffff;
	_ =	sdelay $0x4  }
0x32: {  	[tilespmem:$0x1FD0] =	vst v21  }
0x33: {  	v21 =	vld.idx.msk [tilespmem:v13+s2+$0x0], $0xffff;
	_ =	sdelay $0x4  }
0x34: {  	[tilespmem:$0x1EE0] =	vst v21  }
0x35: {  	v21 =	vld.idx.msk [tilespmem:v14+s2+$0x0], $0xffff;
	_ =	sdelay $0x4  }
0x36: {  	v22 =	vld [tilespmem:$0x1E80];
	[tilespmem:$0x1FE0] =	vst v21  }
0x37: {  	v21 =	vld.idx.msk [tilespmem:v15+s2+$0x0], $0xffff;
	_ =	sdelay $0x4  }
0x38: {  	[tilespmem:$0x1EF0] =	vst v21;
	v21 =	vperm.xlane v22, v17  }
0x39: {  	v23 =	vld.idx.msk [tilespmem:v16+s2+$0x0], $0xffff  }
0x3a: {  	v22 =	vperm.xlane v22, v19;
	v21 =	vadd.s32 v18, v21;
	_ =	sdelay $0x1  }
0x3b: {  	v22 =	vadd.s32 v18, v22;
	_ =	sdelay $0x1  }
0x3c: {  	s0 =	simm.s32 $0x2080;
	[tilespmem:$0x1FF0] =	vst v23  }
0x3d: {  	[tilespmem:s0], [sflag:$0x1] =	stream.indirect_vreg.gather [hbm4b:s3+s2], $0x80, v21, vm0, $0xb8;
	[tilespmem:$0x1A080] =	vst v63  }
0x3e: {  	s11 =	simm.s32 $0x2880  }
0x3f: {  	[tilespmem:s11], [sflag:$0x1] =	stream.indirect_vreg.gather [hbm4b:s3+s2], $0x80, v22, vm0, $0xb8;
	[tilespmem:$0x1A080] =	vst v63  }
0x40: {  	v21 =	vld [tilespmem:$0x1E90];
	_ =	sdelay $0x4  }
0x41: {  	v22 =	vperm.xlane v21, v17;
	_ =	sdelay $0x1  }
0x42: {  	v21 =	vperm.xlane v21, v19;
	v22 =	vadd.s32 v18, v22;
	_ =	sdelay $0x1  }
0x43: {  	v21 =	vadd.s32 v18, v21;
	_ =	sdelay $0x1  }
0x44: {  	s13 =	simm.s32 $0x3080  }
0x45: {  	[tilespmem:s13], [sflag:$0x1] =	stream.indirect_vreg.gather [hbm4b:s3+s2], $0x80, v22, vm0, $0xb8;
	[tilespmem:$0x1A080] =	vst v63  }
0x46: {  	s14 =	simm.s32 $0x3880  }
0x47: {  	[tilespmem:s14], [sflag:$0x1] =	stream.indirect_vreg.gather [hbm4b:s3+s2], $0x80, v21, vm0, $0xb8;
	[tilespmem:$0x1A080] =	vst v63  }
0x48: {  	v21 =	vld [tilespmem:$0x1EA0];
	_ =	sdelay $0x4  }
0x49: {  	v22 =	vperm.xlane v21, v17;
	_ =	sdelay $0x1  }
0x4a: {  	v21 =	vperm.xlane v21, v19;
	v22 =	vadd.s32 v18, v22;
	_ =	sdelay $0x1  }
0x4b: {  	v21 =	vadd.s32 v18, v21;
	_ =	sdelay $0x1  }
0x4c: {  	s15 =	simm.s32 $0x4080  }
0x4d: {  	[tilespmem:s15], [sflag:$0x1] =	stream.indirect_vreg.gather [hbm4b:s3+s2], $0x80, v22, vm0, $0xb8;
	[tilespmem:$0x1A080] =	vst v63  }
0x4e: {  	s16 =	simm.s32 $0x4880  }
0x4f: {  	[tilespmem:s16], [sflag:$0x1] =	stream.indirect_vreg.gather [hbm4b:s3+s2], $0x80, v21, vm0, $0xb8;
	[tilespmem:$0x1A080] =	vst v63  }
0x50: {  	v21 =	vld [tilespmem:$0x1EB0];
	_ =	sdelay $0x4  }
0x51: {  	v22 =	vperm.xlane v21, v17;
	_ =	sdelay $0x1  }
0x52: {  	v21 =	vperm.xlane v21, v19;
	v22 =	vadd.s32 v18, v22;
	_ =	sdelay $0x1  }
0x53: {  	v21 =	vadd.s32 v18, v21;
	_ =	sdelay $0x1  }
0x54: {  	s17 =	simm.s32 $0x5080  }
0x55: {  	[tilespmem:s17], [sflag:$0x1] =	stream.indirect_vreg.gather [hbm4b:s3+s2], $0x80, v22, vm0, $0xb8;
	[tilespmem:$0x1A080] =	vst v63  }
0x56: {  	s18 =	simm.s32 $0x5880  }
0x57: {  	[tilespmem:s18], [sflag:$0x1] =	stream.indirect_vreg.gather [hbm4b:s3+s2], $0x80, v21, vm0, $0xb8;
	[tilespmem:$0x1A080] =	vst v63  }
0x58: {  	v21 =	vld [tilespmem:$0x1EC0];
	_ =	sdelay $0x4  }
0x59: {  	v22 =	vperm.xlane v21, v17;
	_ =	sdelay $0x1  }
0x5a: {  	v21 =	vperm.xlane v21, v19;
	v22 =	vadd.s32 v18, v22;
	_ =	sdelay $0x1  }
0x5b: {  	v21 =	vadd.s32 v18, v21;
	_ =	sdelay $0x1  }
0x5c: {  	s8 =	simm.s32 $0x6080  }
0x5d: {  	[tilespmem:s8], [sflag:$0x1] =	stream.indirect_vreg.gather [hbm4b:s3+s2], $0x80, v22, vm0, $0xb8;
	[tilespmem:$0x1A080] =	vst v63  }
0x5e: {  	s9 =	simm.s32 $0x6880  }
0x5f: {  	[tilespmem:s9], [sflag:$0x1] =	stream.indirect_vreg.gather [hbm4b:s3+s2], $0x80, v21, vm0, $0xb8;
	[tilespmem:$0x1A080] =	vst v63  }
0x60: {  	v21 =	vld [tilespmem:$0x1ED0];
	_ =	sdelay $0x4  }
0x61: {  	v22 =	vperm.xlane v21, v17;
	_ =	sdelay $0x1  }
0x62: {  	v21 =	vperm.xlane v21, v19;
	v22 =	vadd.s32 v18, v22;
	_ =	sdelay $0x1  }
0x63: {  	v21 =	vadd.s32 v18, v21;
	_ =	sdelay $0x1  }
0x64: {  	s11 =	simm.s32 $0x7080  }
0x65: {  	[tilespmem:s11], [sflag:$0x1] =	stream.indirect_vreg.gather [hbm4b:s3+s2], $0x80, v22, vm0, $0xb8;
	[tilespmem:$0x1A080] =	vst v63  }
0x66: {  	s13 =	simm.s32 $0x7880  }
0x67: {  	[tilespmem:s13], [sflag:$0x1] =	stream.indirect_vreg.gather [hbm4b:s3+s2], $0x80, v21, vm0, $0xb8;
	[tilespmem:$0x1A080] =	vst v63  }
0x68: {  	v21 =	vld [tilespmem:$0x1EE0];
	_ =	sdelay $0x4  }
0x69: {  	v22 =	vperm.xlane v21, v17;
	_ =	sdelay $0x1  }
0x6a: {  	v21 =	vperm.xlane v21, v19;
	v22 =	vadd.s32 v18, v22;
	_ =	sdelay $0x1  }
0x6b: {  	v21 =	vadd.s32 v18, v21;
	_ =	sdelay $0x1  }
0x6c: {  	s14 =	simm.s32 $0x8080  }
0x6d: {  	[tilespmem:s14], [sflag:$0x1] =	stream.indirect_vreg.gather [hbm4b:s3+s2], $0x80, v22, vm0, $0xb8;
	[tilespmem:$0x1A080] =	vst v63  }
0x6e: {  	s15 =	simm.s32 $0x8880  }
0x6f: {  	[tilespmem:s15], [sflag:$0x1] =	stream.indirect_vreg.gather [hbm4b:s3+s2], $0x80, v21, vm0, $0xb8;
	[tilespmem:$0x1A080] =	vst v63  }
0x70: {  	v21 =	vld [tilespmem:$0x1EF0];
	_ =	sdelay $0x4  }
0x71: {  	v22 =	vperm.xlane v21, v17;
	_ =	sdelay $0x1  }
0x72: {  	v21 =	vperm.xlane v21, v19;
	v22 =	vadd.s32 v18, v22;
	_ =	sdelay $0x1  }
0x73: {  	v21 =	vadd.s32 v18, v21;
	_ =	sdelay $0x1  }
0x74: {  	s16 =	simm.s32 $0x9080  }
0x75: {  	[tilespmem:s16], [sflag:$0x1] =	stream.indirect_vreg.gather [hbm4b:s3+s2], $0x80, v22, vm0, $0xb8;
	[tilespmem:$0x1A080] =	vst v63  }
0x76: {  	s17 =	simm.s32 $0x9880  }
0x77: {  	[tilespmem:s17], [sflag:$0x1] =	stream.indirect_vreg.gather [hbm4b:s3+s2], $0x80, v21, vm0, $0xb8;
	[tilespmem:$0x1A080] =	vst v63  }
0x78: {  	v21 =	vld [tilespmem:$0x1F80];
	_ =	sdelay $0x4  }
0x79: {  	v22 =	vperm.xlane v21, v17;
	_ =	sdelay $0x1  }
0x7a: {  	v21 =	vperm.xlane v21, v19;
	v22 =	vadd.s32 v18, v22;
	_ =	sdelay $0x1  }
0x7b: {  	v21 =	vadd.s32 v18, v21;
	_ =	sdelay $0x1  }
0x7c: {  	s18 =	simm.s32 $0x2480  }
0x7d: {  	[tilespmem:s18], [sflag:$0x1] =	stream.indirect_vreg.gather [hbm4b:s3+s2], $0x80, v22, vm0, $0xb8;
	[tilespmem:$0x1A080] =	vst v63  }
0x7e: {  	s8 =	simm.s32 $0x2C80  }
0x7f: {  	[tilespmem:s8], [sflag:$0x1] =	stream.indirect_vreg.gather [hbm4b:s3+s2], $0x80, v21, vm0, $0xb8;
	[tilespmem:$0x1A080] =	vst v63  }
0x80: {  	v21 =	vld [tilespmem:$0x1F90];
	_ =	sdelay $0x4  }
0x81: {  	v22 =	vperm.xlane v21, v17;
	_ =	sdelay $0x1  }
0x82: {  	v21 =	vperm.xlane v21, v19;
	v22 =	vadd.s32 v18, v22;
	_ =	sdelay $0x1  }
0x83: {  	v21 =	vadd.s32 v18, v21;
	_ =	sdelay $0x1  }
0x84: {  	s9 =	simm.s32 $0x3480  }
0x85: {  	[tilespmem:s9], [sflag:$0x1] =	stream.indirect_vreg.gather [hbm4b:s3+s2], $0x80, v22, vm0, $0xb8;
	[tilespmem:$0x1A080] =	vst v63  }
0x86: {  	s11 =	simm.s32 $0x3C80  }
0x87: {  	[tilespmem:s11], [sflag:$0x1] =	stream.indirect_vreg.gather [hbm4b:s3+s2], $0x80, v21, vm0, $0xb8;
	[tilespmem:$0x1A080] =	vst v63  }
0x88: {  	v21 =	vld [tilespmem:$0x1FA0];
	_ =	sdelay $0x4  }
0x89: {  	v22 =	vperm.xlane v21, v17;
	_ =	sdelay $0x1  }
0x8a: {  	v21 =	vperm.xlane v21, v19;
	v22 =	vadd.s32 v18, v22;
	_ =	sdelay $0x1  }
0x8b: {  	v21 =	vadd.s32 v18, v21;
	_ =	sdelay $0x1  }
0x8c: {  	s13 =	simm.s32 $0x4480  }
0x8d: {  	[tilespmem:s13], [sflag:$0x1] =	stream.indirect_vreg.gather [hbm4b:s3+s2], $0x80, v22, vm0, $0xb8;
	[tilespmem:$0x1A080] =	vst v63  }
0x8e: {  	s14 =	simm.s32 $0x4C80  }
0x8f: {  	[tilespmem:s14], [sflag:$0x1] =	stream.indirect_vreg.gather [hbm4b:s3+s2], $0x80, v21, vm0, $0xb8;
	[tilespmem:$0x1A080] =	vst v63  }
0x90: {  	v21 =	vld [tilespmem:$0x1FB0];
	_ =	sdelay $0x4  }
0x91: {  	v22 =	vperm.xlane v21, v17;
	_ =	sdelay $0x1  }
0x92: {  	v21 =	vperm.xlane v21, v19;
	v22 =	vadd.s32 v18, v22;
	_ =	sdelay $0x1  }
0x93: {  	v21 =	vadd.s32 v18, v21;
	_ =	sdelay $0x1  }
0x94: {  	s15 =	simm.s32 $0x5480  }
0x95: {  	[tilespmem:s15], [sflag:$0x1] =	stream.indirect_vreg.gather [hbm4b:s3+s2], $0x80, v22, vm0, $0xb8;
	[tilespmem:$0x1A080] =	vst v63  }
0x96: {  	s16 =	simm.s32 $0x5C80  }
0x97: {  	[tilespmem:s16], [sflag:$0x1] =	stream.indirect_vreg.gather [hbm4b:s3+s2], $0x80, v21, vm0, $0xb8;
	[tilespmem:$0x1A080] =	vst v63  }
0x98: {  	v21 =	vld [tilespmem:$0x1FC0];
	_ =	sdelay $0x4  }
0x99: {  	v22 =	vperm.xlane v21, v17;
	_ =	sdelay $0x1  }
0x9a: {  	v21 =	vperm.xlane v21, v19;
	v22 =	vadd.s32 v18, v22;
	_ =	sdelay $0x1  }
0x9b: {  	v21 =	vadd.s32 v18, v21;
	_ =	sdelay $0x1  }
0x9c: {  	s17 =	simm.s32 $0x6480  }
0x9d: {  	[tilespmem:s17], [sflag:$0x1] =	stream.indirect_vreg.gather [hbm4b:s3+s2], $0x80, v22, vm0, $0xb8;
	[tilespmem:$0x1A080] =	vst v63  }
0x9e: {  	s18 =	simm.s32 $0x6C80  }
0x9f: {  	[tilespmem:s18], [sflag:$0x1] =	stream.indirect_vreg.gather [hbm4b:s3+s2], $0x80, v21, vm0, $0xb8;
	[tilespmem:$0x1A080] =	vst v63  }
0xa0: {  	v21 =	vld [tilespmem:$0x1FD0];
	_ =	sdelay $0x4  }
0xa1: {  	v22 =	vperm.xlane v21, v17;
	_ =	sdelay $0x1  }
0xa2: {  	v21 =	vperm.xlane v21, v19;
	v22 =	vadd.s32 v18, v22;
	_ =	sdelay $0x1  }
0xa3: {  	v21 =	vadd.s32 v18, v21;
	_ =	sdelay $0x2  }
0xa4: {  	[tilespmem:s19], [sflag:$0x1] =	stream.indirect_vreg.gather [hbm4b:s3+s2], $0x80, v22, vm0, $0xb8;
	[tilespmem:$0x1A080] =	vst v63  }
0xa5: {  	_ = 	snop  }
0xa6: {  	[tilespmem:s20], [sflag:$0x1] =	stream.indirect_vreg.gather [hbm4b:s3+s2], $0x80, v21, vm0, $0xb8;
	[tilespmem:$0x1A080] =	vst v63  }
0xa7: {  	v21 =	vld [tilespmem:$0x1FE0];
	_ =	sdelay $0x4  }
0xa8: {  	v22 =	vperm.xlane v21, v17;
	_ =	sdelay $0x1  }
0xa9: {  	v21 =	vperm.xlane v21, v19;
	v22 =	vadd.s32 v18, v22;
	_ =	sdelay $0x1  }
0xaa: {  	v21 =	vadd.s32 v18, v21;
	_ =	sdelay $0x2  }
0xab: {  	[tilespmem:s21], [sflag:$0x1] =	stream.indirect_vreg.gather [hbm4b:s3+s2], $0x80, v22, vm0, $0xb8;
	[tilespmem:$0x1A080] =	vst v63  }
0xac: {  	_ = 	snop  }
0xad: {  	[tilespmem:s22], [sflag:$0x1] =	stream.indirect_vreg.gather [hbm4b:s3+s2], $0x80, v21, vm0, $0xb8;
	[tilespmem:$0x1A080] =	vst v63  }
0xae: {  	v21 =	vld [tilespmem:$0x1FF0];
	_ =	sdelay $0x4  }
0xaf: {  	v22 =	vperm.xlane v21, v17;
	_ =	sdelay $0x1  }
0xb0: {  	v22 =	vadd.s32 v18, v22  }
0xb1: {  	v21 =	vperm.xlane v21, v19;
	_ =	sdelay $0x1  }
0xb2: {  	v21 =	vadd.s32 v18, v21;
	_ =	sdelay $0x1  }
0xb3: {  	[tilespmem:s23], [sflag:$0x1] =	stream.indirect_vreg.gather [hbm4b:s3+s2], $0x80, v22, vm0, $0xb8;
	[tilespmem:$0x1A080] =	vst v63  }
.Ltmp2:
0xb4: {  	_ = 	snop;
	(pc) =	sbr.rel .LBB2_2-.Ltmp2, $4  }
0xb5: {  	s29 =	simm.s32 $0x1EC;
	s8 =	smov.u32 s1  }
0xb6: {  	[tilespmem:s24], [sflag:$0x1] =	stream.indirect_vreg.gather [hbm4b:s3+s2], $0x80, v21, vm0, $0xb8;
	[tilespmem:$0x1A080] =	vst v63  }
0xb7: {  	s9 =	smov.u32 s31;
	s11 =	smov.u32 s30;
	s13 =	simm.s32 $0x0  }
0xb8: {  	[tilespmem:s25], [sflag:$0x3] =	stream.linear.gather [hbm4b:s5+s2], $0x4000, $0x38;
	[tilespmem:$0x1A080] =	vst v63  }
.LBB2_4:
0xb9: {  	s15 =	sshll.u32 s14, $0xE  }
0xba: {  	s18 =	sadd.s32 $0x3, s14;
	s15 =	sor.u32 $0x12080, s15  }
0xbb: {  	[tilespmem:s15], [sflag:s18] =	stream.linear.gather [hbm4b:s11+s2], $0x4000, $0x38;
	[tilespmem:$0x1A080] =	vst v63  }
.LBB2_6:
0xbc: {  	s14 =	sand.u32 $0x1, s0  }
0xbd: {  	s15 =	sadd.s32 $0x3, s14  }
0xbe: {  	_ =	swait.ge [sflag:s15], $0x4000  }
0xbf: {  	s14 =	sshll.u32 s14, $0xE;
	[sflag:s15] =	ssyncset.done $0x0  }
0xc0: {  	s14 =	sor.u32 $0x12080, s14;
	[sflag:s15] =	ssyncadd.s32 $0xFFFFC000  }
0xc1: {  	[hbm4b:s8+s2] =	stream.linear.scatter [tilespmem:s14], [sflag:$0x6], $0x4000, $0x38;
	[tilespmem:$0x1A080] =	vst v63  }
0xc2: {  	_ =	swait.ge [sflag:s26], $0x4000  }
0xc3: {  	[sflag:s26] =	ssyncset.done $0x0  }
0xc4: {  	[sflag:s26] =	ssyncadd.s32 $0xFFFFC000  }
.LBB2_7:
0xc5: {  	s0 =	sand.u32 $0x1, s0  }
0xc6: {  	s14 =	sadd.s32 $0x1, s0  }
0xc7: {  	s15 =	sadd.s32 s29, s10;
	_ =	swait.ge [sflag:s14], $0x8000  }
0xc8: {  	p0 =	seq.s32 s15, $0x1EC;
	s0 =	sshll.u32 s0, $0xF;
	[sflag:s14] =	ssyncset.done $0x0  }
0xc9: {  	s0 =	sor.u32 $0x2080, s0;
	[sflag:s14] =	ssyncadd.s32 $0xFFFF8000;
	s14 =	simm.s32 @p0 $0x0  }
0xca: {  	[hbm4b:s6+s14] =	stream.linear.scatter @p0 [tilespmem:s0], [sflag:$0x5], $0x7800, $0x38;
	[tilespmem:$0x1A080] =	vst v63  }
0xcb: {  	s14 =	simm.s32 @p0 $0x5  }
0xcc: {  	_ =	swait.ge @p0 [sflag:s14], $0x7800  }
0xcd: {  	[sflag:s14] =	ssyncset.done @p0 $0x0  }
0xce: {  	[sflag:s14] =	ssyncadd.s32 @p0 $0xFFFF8800;
	s14 =	simm.s32 @!p0 $0x0  }
0xcf: {  	[hbm4b:s9+s14] =	stream.linear.scatter @!p0 [tilespmem:s0], [sflag:$0x6], $0x8000, $0x38;
	[tilespmem:$0x1A080] =	vst v63  }
0xd0: {  	s0 =	simm.s32 @!p0 $0x6  }
0xd1: {  	_ =	swait.ge @!p0 [sflag:s0], $0x8000  }
0xd2: {  	s29 =	sadd.s32 $0x100, s29;
	[sflag:s0] =	ssyncset.done @!p0 $0x0  }
0xd3: {  	[sflag:s0] =	ssyncadd.s32 @!p0 $0xFFFF8000;
	p0 =	sne.s32 s29, $0x1FEC  }
.Ltmp3:
0xd4: {  	_ = 	snop;
	(pc) =	sbr.rel @!p0 .LBB2_8-.Ltmp3, $2  }
0xd5: {  	_ =	sdelay $0x2  }
0xd6: {  	s8 =	sadd.s32 $0x800, s8;
	s11 =	sadd.s32 $0x800, s11;
	s9 =	sadd.s32 $0x1000, s9  }
.LBB2_2:
0xd7: {  	p0 =	seq.s32 s29, $0x1EEC  }
.Ltmp4:
0xd8: {  	_ = 	snop;
	(pc) =	sbr.rel @p0 .LBB2_7-.Ltmp4, $2  }
0xd9: {  	_ =	sdelay $0x2  }
0xda: {  	s0 =	smov.u32 s13;
	s13 =	sadd.s32 $0x1, s13  }
0xdb: {  	s14 =	sadd.s32 $0xFFFFFF20, s29  }
0xdc: {  	v21 =	vadd.s32 s14, v0;
	_ =	sdelay $0x4  }
0xdd: {  	v21 =	vld.idx.msk [tilespmem:v21+s2+$0x0], $0xffff  }
0xde: {  	v22 =	vadd.s32 s14, v20;
	_ =	sdelay $0x1  }
0xdf: {  	s14 =	sand.u32 $0x1, s13  }
0xe0: {  	s15 =	sshll.u32 s14, $0x7  }
0xe1: {  	[tilespmem:s15+$0x1E80] =	vst v21  }
0xe2: {  	s16 =	sadd.s32 $0xFFFFFF40, s29;
	v21 =	vld.idx.msk [tilespmem:v22+s2+$0x0], $0xffff  }
0xe3: {  	v22 =	vadd.s32 s16, v0;
	_ =	sdelay $0x3  }
0xe4: {  	[tilespmem:s15+$0x1F80] =	vst v21  }
0xe5: {  	v21 =	vld.idx.msk [tilespmem:v22+s2+$0x0], $0xffff  }
0xe6: {  	v22 =	vadd.s32 s16, v20;
	_ =	sdelay $0x3  }
0xe7: {  	[tilespmem:s15+$0x1E90] =	vst v21  }
0xe8: {  	s17 =	sadd.s32 $0xFFFFFF60, s29;
	v21 =	vld.idx.msk [tilespmem:v22+s2+$0x0], $0xffff  }
0xe9: {  	v22 =	vadd.s32 s17, v0;
	_ =	sdelay $0x3  }
0xea: {  	[tilespmem:s15+$0x1F90] =	vst v21  }
0xeb: {  	v21 =	vld.idx.msk [tilespmem:v22+s2+$0x0], $0xffff  }
0xec: {  	v22 =	vadd.s32 s17, v20;
	_ =	sdelay $0x3  }
0xed: {  	[tilespmem:s15+$0x1EA0] =	vst v21  }
0xee: {  	s18 =	sadd.s32 $0xFFFFFF80, s29;
	v21 =	vld.idx.msk [tilespmem:v22+s2+$0x0], $0xffff  }
0xef: {  	v22 =	vadd.s32 s18, v0;
	_ =	sdelay $0x3  }
0xf0: {  	[tilespmem:s15+$0x1FA0] =	vst v21  }
0xf1: {  	v21 =	vld.idx.msk [tilespmem:v22+s2+$0x0], $0xffff  }
0xf2: {  	v22 =	vadd.s32 s18, v20;
	_ =	sdelay $0x3  }
0xf3: {  	[tilespmem:s15+$0x1EB0] =	vst v21  }
0xf4: {  	s17 =	sadd.s32 $0xFFFFFFA0, s29;
	v21 =	vld.idx.msk [tilespmem:v22+s2+$0x0], $0xffff  }
0xf5: {  	v22 =	vadd.s32 s17, v0;
	_ =	sdelay $0x3  }
0xf6: {  	[tilespmem:s15+$0x1FB0] =	vst v21  }
0xf7: {  	v21 =	vld.idx.msk [tilespmem:v22+s2+$0x0], $0xffff  }
0xf8: {  	v22 =	vadd.s32 s17, v20;
	_ =	sdelay $0x3  }
0xf9: {  	[tilespmem:s15+$0x1EC0] =	vst v21  }
0xfa: {  	s18 =	sadd.s32 $0xFFFFFFC0, s29;
	v21 =	vld.idx.msk [tilespmem:v22+s2+$0x0], $0xffff  }
0xfb: {  	v22 =	vadd.s32 s18, v0;
	_ =	sdelay $0x3  }
0xfc: {  	[tilespmem:s15+$0x1FC0] =	vst v21  }
0xfd: {  	v21 =	vld.idx.msk [tilespmem:v22+s2+$0x0], $0xffff  }
0xfe: {  	v22 =	vadd.s32 s18, v20;
	_ =	sdelay $0x3  }
0xff: {  	[tilespmem:s15+$0x1ED0] =	vst v21  }
0x100: {  	s17 =	sadd.s32 $0xFFFFFFE0, s29;
	v21 =	vld.idx.msk [tilespmem:v22+s2+$0x0], $0xffff  }
0x101: {  	v22 =	vadd.s32 s17, v0;
	_ =	sdelay $0x3  }
0x102: {  	[tilespmem:s15+$0x1FD0] =	vst v21  }
0x103: {  	v21 =	vld.idx.msk [tilespmem:v22+s2+$0x0], $0xffff  }
0x104: {  	v22 =	vadd.s32 s17, v20;
	_ =	sdelay $0x3  }
0x105: {  	[tilespmem:s15+$0x1EE0] =	vst v21  }
0x106: {  	v21 =	vld.idx.msk [tilespmem:v22+s2+$0x0], $0xffff  }
0x107: {  	v22 =	vadd.s32 s29, v0;
	_ =	sdelay $0x3  }
0x108: {  	[tilespmem:s15+$0x1FE0] =	vst v21  }
0x109: {  	v21 =	vld.idx.msk [tilespmem:v22+s2+$0x0], $0xffff  }
0x10a: {  	v22 =	vld [tilespmem:s15+$0x1E80]  }
0x10b: {  	v23 =	vadd.s32 s29, v20;
	_ =	sdelay $0x3  }
0x10c: {  	[tilespmem:s15+$0x1EF0] =	vst v21;
	v21 =	vperm.xlane v22, v17  }
0x10d: {  	v23 =	vld.idx.msk [tilespmem:v23+s2+$0x0], $0xffff  }
0x10e: {  	v22 =	vperm.xlane v22, v19;
	v21 =	vadd.s32 v18, v21;
	_ =	sdelay $0x1  }
0x10f: {  	v22 =	vadd.s32 v18, v22  }
0x110: {  	s16 =	sshll.u32 s14, $0xF  }
0x111: {  	s18 =	sor.u32 $0x2080, s16;
	s17 =	sadd.s32 $0x1, s14;
	[tilespmem:s15+$0x1FF0] =	vst v23  }
0x112: {  	[tilespmem:s18], [sflag:s17] =	stream.indirect_vreg.gather [hbm4b:s3+s2], $0x80, v21, vm0, $0xb8;
	[tilespmem:$0x1A080] =	vst v63  }
0x113: {  	s18 =	sor.u32 $0x2880, s16  }
0x114: {  	[tilespmem:s18], [sflag:s17] =	stream.indirect_vreg.gather [hbm4b:s3+s2], $0x80, v22, vm0, $0xb8;
	[tilespmem:$0x1A080] =	vst v63  }
0x115: {  	v21 =	vld [tilespmem:s15+$0x1E90];
	_ =	sdelay $0x4  }
0x116: {  	v22 =	vperm.xlane v21, v17;
	_ =	sdelay $0x1  }
0x117: {  	v21 =	vperm.xlane v21, v19;
	v22 =	vadd.s32 v18, v22;
	_ =	sdelay $0x1  }
0x118: {  	v21 =	vadd.s32 v18, v21;
	_ =	sdelay $0x1  }
0x119: {  	s18 =	sor.u32 $0x3080, s16  }
0x11a: {  	[tilespmem:s18], [sflag:s17] =	stream.indirect_vreg.gather [hbm4b:s3+s2], $0x80, v22, vm0, $0xb8;
	[tilespmem:$0x1A080] =	vst v63  }
0x11b: {  	s18 =	sor.u32 $0x3880, s16  }
0x11c: {  	[tilespmem:s18], [sflag:s17] =	stream.indirect_vreg.gather [hbm4b:s3+s2], $0x80, v21, vm0, $0xb8;
	[tilespmem:$0x1A080] =	vst v63  }
0x11d: {  	v21 =	vld [tilespmem:s15+$0x1EA0];
	_ =	sdelay $0x4  }
0x11e: {  	v22 =	vperm.xlane v21, v17;
	_ =	sdelay $0x1  }
0x11f: {  	v21 =	vperm.xlane v21, v19;
	v22 =	vadd.s32 v18, v22;
	_ =	sdelay $0x1  }
0x120: {  	v21 =	vadd.s32 v18, v21;
	_ =	sdelay $0x1  }
0x121: {  	s18 =	sor.u32 $0x4080, s16  }
0x122: {  	[tilespmem:s18], [sflag:s17] =	stream.indirect_vreg.gather [hbm4b:s3+s2], $0x80, v22, vm0, $0xb8;
	[tilespmem:$0x1A080] =	vst v63  }
0x123: {  	s18 =	sor.u32 $0x4880, s16  }
0x124: {  	[tilespmem:s18], [sflag:s17] =	stream.indirect_vreg.gather [hbm4b:s3+s2], $0x80, v21, vm0, $0xb8;
	[tilespmem:$0x1A080] =	vst v63  }
0x125: {  	v21 =	vld [tilespmem:s15+$0x1EB0];
	_ =	sdelay $0x4  }
0x126: {  	v22 =	vperm.xlane v21, v17;
	_ =	sdelay $0x1  }
0x127: {  	v21 =	vperm.xlane v21, v19;
	v22 =	vadd.s32 v18, v22;
	_ =	sdelay $0x1  }
0x128: {  	v21 =	vadd.s32 v18, v21;
	_ =	sdelay $0x1  }
0x129: {  	s18 =	sor.u32 $0x5080, s16  }
0x12a: {  	[tilespmem:s18], [sflag:s17] =	stream.indirect_vreg.gather [hbm4b:s3+s2], $0x80, v22, vm0, $0xb8;
	[tilespmem:$0x1A080] =	vst v63  }
0x12b: {  	s18 =	sor.u32 $0x5880, s16  }
0x12c: {  	[tilespmem:s18], [sflag:s17] =	stream.indirect_vreg.gather [hbm4b:s3+s2], $0x80, v21, vm0, $0xb8;
	[tilespmem:$0x1A080] =	vst v63  }
0x12d: {  	v21 =	vld [tilespmem:s15+$0x1EC0];
	_ =	sdelay $0x4  }
0x12e: {  	v22 =	vperm.xlane v21, v17;
	_ =	sdelay $0x1  }
0x12f: {  	v21 =	vperm.xlane v21, v19;
	v22 =	vadd.s32 v18, v22;
	_ =	sdelay $0x1  }
0x130: {  	v21 =	vadd.s32 v18, v21;
	_ =	sdelay $0x1  }
0x131: {  	s18 =	sor.u32 $0x6080, s16  }
0x132: {  	[tilespmem:s18], [sflag:s17] =	stream.indirect_vreg.gather [hbm4b:s3+s2], $0x80, v22, vm0, $0xb8;
	[tilespmem:$0x1A080] =	vst v63  }
0x133: {  	s18 =	sor.u32 $0x6880, s16  }
0x134: {  	[tilespmem:s18], [sflag:s17] =	stream.indirect_vreg.gather [hbm4b:s3+s2], $0x80, v21, vm0, $0xb8;
	[tilespmem:$0x1A080] =	vst v63  }
0x135: {  	v21 =	vld [tilespmem:s15+$0x1ED0];
	_ =	sdelay $0x4  }
0x136: {  	v22 =	vperm.xlane v21, v17;
	_ =	sdelay $0x1  }
0x137: {  	v21 =	vperm.xlane v21, v19;
	v22 =	vadd.s32 v18, v22;
	_ =	sdelay $0x1  }
0x138: {  	v21 =	vadd.s32 v18, v21;
	_ =	sdelay $0x1  }
0x139: {  	s18 =	sor.u32 $0x7080, s16  }
0x13a: {  	[tilespmem:s18], [sflag:s17] =	stream.indirect_vreg.gather [hbm4b:s3+s2], $0x80, v22, vm0, $0xb8;
	[tilespmem:$0x1A080] =	vst v63  }
0x13b: {  	s18 =	sor.u32 $0x7880, s16  }
0x13c: {  	[tilespmem:s18], [sflag:s17] =	stream.indirect_vreg.gather [hbm4b:s3+s2], $0x80, v21, vm0, $0xb8;
	[tilespmem:$0x1A080] =	vst v63  }
0x13d: {  	v21 =	vld [tilespmem:s15+$0x1EE0];
	_ =	sdelay $0x4  }
0x13e: {  	v22 =	vperm.xlane v21, v17;
	_ =	sdelay $0x1  }
0x13f: {  	v21 =	vperm.xlane v21, v19;
	v22 =	vadd.s32 v18, v22;
	_ =	sdelay $0x1  }
0x140: {  	v21 =	vadd.s32 v18, v21;
	_ =	sdelay $0x1  }
0x141: {  	s18 =	sadd.s32 $0x8080, s16  }
0x142: {  	[tilespmem:s18], [sflag:s17] =	stream.indirect_vreg.gather [hbm4b:s3+s2], $0x80, v22, vm0, $0xb8;
	[tilespmem:$0x1A080] =	vst v63  }
0x143: {  	s18 =	sadd.s32 $0x8880, s16  }
0x144: {  	[tilespmem:s18], [sflag:s17] =	stream.indirect_vreg.gather [hbm4b:s3+s2], $0x80, v21, vm0, $0xb8;
	[tilespmem:$0x1A080] =	vst v63  }
0x145: {  	v21 =	vld [tilespmem:s15+$0x1EF0];
	_ =	sdelay $0x4  }
0x146: {  	v22 =	vperm.xlane v21, v17;
	_ =	sdelay $0x1  }
0x147: {  	v21 =	vperm.xlane v21, v19;
	v22 =	vadd.s32 v18, v22;
	_ =	sdelay $0x1  }
0x148: {  	v21 =	vadd.s32 v18, v21;
	_ =	sdelay $0x1  }
0x149: {  	s18 =	sadd.s32 $0x9080, s16  }
0x14a: {  	[tilespmem:s18], [sflag:s17] =	stream.indirect_vreg.gather [hbm4b:s3+s2], $0x80, v22, vm0, $0xb8;
	[tilespmem:$0x1A080] =	vst v63  }
0x14b: {  	s18 =	sadd.s32 $0x9880, s16  }
0x14c: {  	[tilespmem:s18], [sflag:s17] =	stream.indirect_vreg.gather [hbm4b:s3+s2], $0x80, v21, vm0, $0xb8;
	[tilespmem:$0x1A080] =	vst v63  }
0x14d: {  	v21 =	vld [tilespmem:s15+$0x1F80];
	_ =	sdelay $0x4  }
0x14e: {  	v22 =	vperm.xlane v21, v17;
	_ =	sdelay $0x1  }
0x14f: {  	v21 =	vperm.xlane v21, v19;
	v22 =	vadd.s32 v18, v22;
	_ =	sdelay $0x1  }
0x150: {  	v21 =	vadd.s32 v18, v21;
	_ =	sdelay $0x1  }
0x151: {  	s18 =	sor.u32 $0x2480, s16  }
0x152: {  	[tilespmem:s18], [sflag:s17] =	stream.indirect_vreg.gather [hbm4b:s3+s2], $0x80, v22, vm0, $0xb8;
	[tilespmem:$0x1A080] =	vst v63  }
0x153: {  	s18 =	sor.u32 $0x2C80, s16  }
0x154: {  	[tilespmem:s18], [sflag:s17] =	stream.indirect_vreg.gather [hbm4b:s3+s2], $0x80, v21, vm0, $0xb8;
	[tilespmem:$0x1A080] =	vst v63  }
0x155: {  	v21 =	vld [tilespmem:s15+$0x1F90];
	_ =	sdelay $0x4  }
0x156: {  	v22 =	vperm.xlane v21, v17;
	_ =	sdelay $0x1  }
0x157: {  	v21 =	vperm.xlane v21, v19;
	v22 =	vadd.s32 v18, v22;
	_ =	sdelay $0x1  }
0x158: {  	v21 =	vadd.s32 v18, v21;
	_ =	sdelay $0x1  }
0x159: {  	s18 =	sor.u32 $0x3480, s16  }
0x15a: {  	[tilespmem:s18], [sflag:s17] =	stream.indirect_vreg.gather [hbm4b:s3+s2], $0x80, v22, vm0, $0xb8;
	[tilespmem:$0x1A080] =	vst v63  }
0x15b: {  	s18 =	sor.u32 $0x3C80, s16  }
0x15c: {  	[tilespmem:s18], [sflag:s17] =	stream.indirect_vreg.gather [hbm4b:s3+s2], $0x80, v21, vm0, $0xb8;
	[tilespmem:$0x1A080] =	vst v63  }
0x15d: {  	v21 =	vld [tilespmem:s15+$0x1FA0];
	_ =	sdelay $0x4  }
0x15e: {  	v22 =	vperm.xlane v21, v17;
	_ =	sdelay $0x1  }
0x15f: {  	v21 =	vperm.xlane v21, v19;
	v22 =	vadd.s32 v18, v22;
	_ =	sdelay $0x1  }
0x160: {  	v21 =	vadd.s32 v18, v21;
	_ =	sdelay $0x1  }
0x161: {  	s18 =	sor.u32 $0x4480, s16  }
0x162: {  	[tilespmem:s18], [sflag:s17] =	stream.indirect_vreg.gather [hbm4b:s3+s2], $0x80, v22, vm0, $0xb8;
	[tilespmem:$0x1A080] =	vst v63  }
0x163: {  	s18 =	sor.u32 $0x4C80, s16  }
0x164: {  	[tilespmem:s18], [sflag:s17] =	stream.indirect_vreg.gather [hbm4b:s3+s2], $0x80, v21, vm0, $0xb8;
	[tilespmem:$0x1A080] =	vst v63  }
0x165: {  	v21 =	vld [tilespmem:s15+$0x1FB0];
	_ =	sdelay $0x4  }
0x166: {  	v22 =	vperm.xlane v21, v17;
	_ =	sdelay $0x1  }
0x167: {  	v21 =	vperm.xlane v21, v19;
	v22 =	vadd.s32 v18, v22;
	_ =	sdelay $0x1  }
0x168: {  	v21 =	vadd.s32 v18, v21;
	_ =	sdelay $0x1  }
0x169: {  	s18 =	sor.u32 $0x5480, s16  }
0x16a: {  	[tilespmem:s18], [sflag:s17] =	stream.indirect_vreg.gather [hbm4b:s3+s2], $0x80, v22, vm0, $0xb8;
	[tilespmem:$0x1A080] =	vst v63  }
0x16b: {  	s18 =	sor.u32 $0x5C80, s16  }
0x16c: {  	[tilespmem:s18], [sflag:s17] =	stream.indirect_vreg.gather [hbm4b:s3+s2], $0x80, v21, vm0, $0xb8;
	[tilespmem:$0x1A080] =	vst v63  }
0x16d: {  	v21 =	vld [tilespmem:s15+$0x1FC0];
	_ =	sdelay $0x4  }
0x16e: {  	v22 =	vperm.xlane v21, v17;
	_ =	sdelay $0x1  }
0x16f: {  	v21 =	vperm.xlane v21, v19;
	v22 =	vadd.s32 v18, v22;
	_ =	sdelay $0x1  }
0x170: {  	v21 =	vadd.s32 v18, v21;
	_ =	sdelay $0x1  }
0x171: {  	s18 =	sor.u32 $0x6480, s16  }
0x172: {  	[tilespmem:s18], [sflag:s17] =	stream.indirect_vreg.gather [hbm4b:s3+s2], $0x80, v22, vm0, $0xb8;
	[tilespmem:$0x1A080] =	vst v63  }
0x173: {  	s18 =	sor.u32 $0x6C80, s16  }
0x174: {  	[tilespmem:s18], [sflag:s17] =	stream.indirect_vreg.gather [hbm4b:s3+s2], $0x80, v21, vm0, $0xb8;
	[tilespmem:$0x1A080] =	vst v63  }
0x175: {  	v21 =	vld [tilespmem:s15+$0x1FD0];
	_ =	sdelay $0x4  }
0x176: {  	v22 =	vperm.xlane v21, v17;
	_ =	sdelay $0x1  }
0x177: {  	v21 =	vperm.xlane v21, v19;
	v22 =	vadd.s32 v18, v22;
	_ =	sdelay $0x1  }
0x178: {  	v21 =	vadd.s32 v18, v21;
	_ =	sdelay $0x1  }
0x179: {  	s18 =	sor.u32 $0x7480, s16  }
0x17a: {  	[tilespmem:s18], [sflag:s17] =	stream.indirect_vreg.gather [hbm4b:s3+s2], $0x80, v22, vm0, $0xb8;
	[tilespmem:$0x1A080] =	vst v63  }
0x17b: {  	s18 =	sor.u32 $0x7C80, s16  }
0x17c: {  	[tilespmem:s18], [sflag:s17] =	stream.indirect_vreg.gather [hbm4b:s3+s2], $0x80, v21, vm0, $0xb8;
	[tilespmem:$0x1A080] =	vst v63  }
0x17d: {  	v21 =	vld [tilespmem:s15+$0x1FE0];
	_ =	sdelay $0x4  }
0x17e: {  	v22 =	vperm.xlane v21, v17;
	_ =	sdelay $0x1  }
0x17f: {  	v21 =	vperm.xlane v21, v19;
	v22 =	vadd.s32 v18, v22;
	_ =	sdelay $0x1  }
0x180: {  	v21 =	vadd.s32 v18, v21;
	_ =	sdelay $0x1  }
0x181: {  	s18 =	sadd.s32 $0x8480, s16  }
0x182: {  	[tilespmem:s18], [sflag:s17] =	stream.indirect_vreg.gather [hbm4b:s3+s2], $0x80, v22, vm0, $0xb8;
	[tilespmem:$0x1A080] =	vst v63  }
0x183: {  	s18 =	sadd.s32 $0x8C80, s16  }
0x184: {  	[tilespmem:s18], [sflag:s17] =	stream.indirect_vreg.gather [hbm4b:s3+s2], $0x80, v21, vm0, $0xb8;
	[tilespmem:$0x1A080] =	vst v63  }
0x185: {  	v21 =	vld [tilespmem:s15+$0x1FF0];
	_ =	sdelay $0x4  }
0x186: {  	v22 =	vperm.xlane v21, v17;
	_ =	sdelay $0x1  }
0x187: {  	v21 =	vperm.xlane v21, v19;
	v22 =	vadd.s32 v18, v22;
	_ =	sdelay $0x1  }
0x188: {  	p0 =	sgt.u32 s0, $0x12;
	v21 =	vadd.s32 v18, v21  }
.Ltmp5:
0x189: {  	_ = 	snop;
	(pc) =	sbr.rel @!p0 .LBB2_4-.Ltmp5, $4  }
0x18a: {  	s18 =	sadd.s32 $0x9480, s16  }
0x18b: {  	[tilespmem:s18], [sflag:s17] =	stream.indirect_vreg.gather [hbm4b:s3+s2], $0x80, v22, vm0, $0xb8;
	[tilespmem:$0x1A080] =	vst v63  }
0x18c: {  	s18 =	sadd.s32 $0x9C80, s16  }
0x18d: {  	[tilespmem:s18], [sflag:s17] =	stream.indirect_vreg.gather [hbm4b:s3+s2], $0x80, v21, vm0, $0xb8;
	[tilespmem:$0x1A080] =	vst v63  }
0x18e: {  	p0 =	sne.s32 s29, $0x14EC  }
.Ltmp6:
0x18f: {  	_ = 	snop;
	(pc) =	sbr.rel @p0 .LBB2_7-.Ltmp6, $4  }
.Ltmp7:
0x190: {  	_ = 	snop;
	(pc) =	sbr.rel @!p0 .LBB2_6-.Ltmp7, $4  }
0x191: {  	_ = 	snop  }
0x192: {  	_ = 	snop  }
0x193: {  	_ = 	snop  }
0x194: {  	_ = 	snop  }
.LBB2_9:
0x195: {  	_ =	sfence.sel $0x180000  }
0x196: {  	[bflag:$0x0] =	sbarrier.arrive $0xFFFF  }
0x197: {  	_ =	strace $0x90000047  }
0x198: {  	s0 =	stileid.u32;
	[bflag:$0x2] =	sbarrier.arrive $0xFFFF  }
0x199: {  	p0 =	sne.s32 s0, $0x0;
	s0 =	rddreg [dreg:$0x3]  }
0x19a: {  	s0 =	sadd.s32 @!p0 $0x100000, s0  }
0x19b: {  	[sflag:s0] =	ssyncadd.tile.s32 @!p0 $0x1;
	_ =	shalt  }
.Lfunc_end2:
_tile_overlayer_lowered:
.L_overlay_start_2:
0x19c: {  	(tag) =	ssettag $0x2  }
0x19d: {  	s0 =	rddreg [dreg:$0x0];
	s2 =	stileid.u32  }
0x19e: {  	s1 =	rddreg [dreg:$0x1];
	p0 =	sne.s32 s2, $0x0  }
0x19f: {  	s3 =	rddreg [dreg:$0x2];
	[bflag:$0x3] =	sbarrier.arrive $0xFFFF;
	s2 =	simm.s32 @!p0 $0x1C05  }
0x1a0: {  	[timem:s3], [sflag:s2] =	dma.local @!p0 [hbm:s0], s1  }
0x1a1: {  	s0 =	simm.s32 @!p0 $0x5  }
0x1a2: {  	_ =	swait.ge @!p0 [sflag:s0], s1  }
0x1a3: {  	s1 =	ssub.s32 @!p0 $0x0, s1;
	[sflag:s0] =	ssyncset.done @!p0 $0x0  }
0x1a4: {  	[sflag:s0] =	ssyncadd.s32 @!p0 s1  }
0x1a5: {  	[bflag:$0x3] =	sbarrier.arrive $0xFFFF  }
0x1a6: {  	_ =	shalt  }

</sc_bundles>
